<compile_context>
chip_gen: v7x
topology: tpu7x:2x2x1
jax: 0.10.2.dev20260603
libtpu: 0.0.44.dev20260713+nightly
codegen_flags: <defaults>
</compile_context>

<pallas_src>
import functools

import jax
import jax.numpy as jnp
from jax import lax
from jax.experimental import pallas as pl
from jax.experimental.pallas import tpu as pltpu
from jax.experimental.pallas import tpu_sc as plsc

T = 2048
H = 1024
INTER = 2048
I2 = 2 * INTER
E = 8
K = 2
S = T * K
TILE = 256
NT = (S + E * TILE) // TILE
P = NT * TILE


def _routing_metadata(top_k_index, top_k_weights):
    flat_e = top_k_index.reshape(-1).astype(jnp.int32)
    flat_w = top_k_weights.reshape(-1).astype(jnp.float32)
    onehot = (flat_e[:, None] == jnp.arange(E, dtype=jnp.int32)[None, :]).astype(jnp.int32)
    occ = jnp.cumsum(onehot, axis=0)
    counts = occ[-1]
    rank = jnp.take_along_axis(occ, flat_e[:, None], axis=1)[:, 0] - 1
    padded = ((counts + TILE - 1) // TILE) * TILE
    gend = jnp.cumsum(padded)
    gstart = gend - padded
    pos = gstart[flat_e] + rank
    n_active = (gend[-1] // TILE).astype(jnp.int32)
    w_pad = jnp.zeros((P,), jnp.float32).at[pos].set(flat_w)
    tile_base = jnp.arange(NT, dtype=jnp.int32) * TILE
    tile_expert = jnp.minimum(
        jnp.searchsorted(gend, tile_base, side="right").astype(jnp.int32), E - 1)
    meta = jnp.concatenate([tile_expert, n_active[None]])
    return w_pad, pos, meta


def _sc_mesh():
    info = plsc.get_sparse_core_info()
    return (plsc.VectorSubcoreMesh(core_axis_name="c", subcore_axis_name="s"),
            info.num_cores, info.num_subcores)


def _dispatch_rows(hidden, pos):
    mesh, nc, ns = _sc_mesh()
    nw = nc * ns
    tok_pw = T // nw
    pos3 = jnp.stack(
        [pos[0::2].reshape(nw, tok_pw), pos[1::2].reshape(nw, tok_pw)], axis=1)

    @functools.partial(
        pl.kernel,
        mesh=mesh,
        out_type=jax.ShapeDtypeStruct((P, H), jnp.float32),
        scratch_types=[
            pltpu.VMEM((2, tok_pw), jnp.int32),
            pltpu.VMEM((tok_pw, H), jnp.float32),
            pltpu.SemaphoreType.DMA,
            pltpu.SemaphoreType.DMA,
        ],
    )
    def dispatch_k(hid_hbm, pos_hbm, out_hbm, idx_v, rows_v, sem0, sem1):
        wid = lax.axis_index("s") * nc + lax.axis_index("c")
        pltpu.sync_copy(pos_hbm.at[wid], idx_v)
        pltpu.sync_copy(hid_hbm.at[pl.ds(wid * tok_pw, tok_pw)], rows_v)
        s0 = pltpu.async_copy(rows_v, out_hbm.at[idx_v.at[0]], sem0)
        s1 = pltpu.async_copy(rows_v, out_hbm.at[idx_v.at[1]], sem1)
        s0.wait()
        s1.wait()

    return dispatch_k(hidden, pos3)


def _grouped_mlp(xg, gate_up_proj, down_proj, w_pad, meta):
    w2d = jnp.broadcast_to(w_pad[:, None], (P, 128))

    def body(meta_ref, xg_ref, gu_ref, dn_ref, w_ref, y_ref):
        t = pl.program_id(0)

        @pl.when(t < meta_ref[NT])
        def _():
            x = xg_ref[...]
            gu = gu_ref[0]
            proj = lax.dot_general(
                x, gu, (((1,), (1,)), ((), ())),
                preferred_element_type=jnp.float32)
            gate = proj[:, :INTER]
            up = proj[:, INTER:]
            h = jax.nn.gelu(gate, approximate=True) * up
            dn = dn_ref[0]
            y = lax.dot_general(
                h, dn, (((1,), (1,)), ((), ())),
                preferred_element_type=jnp.float32)
            y_ref[...] = y * w_ref[:, :1]

    grid_spec = pltpu.PrefetchScalarGridSpec(
        num_scalar_prefetch=1,
        grid=(NT,),
        in_specs=[
            pl.BlockSpec((TILE, H), lambda t, m: (t, 0)),
            pl.BlockSpec((1, I2, H), lambda t, m: (m[t], 0, 0)),
            pl.BlockSpec((1, H, INTER), lambda t, m: (m[t], 0, 0)),
            pl.BlockSpec((TILE, 128), lambda t, m: (t, 0)),
        ],
        out_specs=pl.BlockSpec((TILE, H), lambda t, m: (t, 0)),
    )
    return pl.pallas_call(
        body,
        grid_spec=grid_spec,
        out_shape=jax.ShapeDtypeStruct((P, H), jnp.float32),
        compiler_params=pltpu.CompilerParams(
            dimension_semantics=("arbitrary",),
            vmem_limit_bytes=120 * 1024 * 1024),
    )(meta, xg, gate_up_proj, down_proj, w2d)


def _combine(y, pos):
    mesh, nc, ns = _sc_mesh()
    nw = nc * ns
    tok_pw = T // nw
    n_ch = 4
    ch = tok_pw // n_ch

    @functools.partial(
        pl.kernel,
        mesh=mesh,
        out_type=jax.ShapeDtypeStruct((T, H), jnp.float32),
        scratch_types=[
            pltpu.VMEM((n_ch, 2 * ch), jnp.int32),
            pltpu.VMEM((2 * ch, H), jnp.float32),
            pltpu.VMEM((2 * ch, H), jnp.float32),
            pltpu.VMEM((ch, H), jnp.float32),
            pltpu.VMEM((ch, H), jnp.float32),
            pltpu.SemaphoreType.DMA,
            pltpu.SemaphoreType.DMA,
            pltpu.SemaphoreType.DMA,
            pltpu.SemaphoreType.DMA,
        ],
    )
    def combine_k(y_hbm, pos_hbm, out_hbm, idx_v, rows0, rows1, acc0, acc1,
                  gs0, gs1, ws0, ws1):
        wid = lax.axis_index("s") * nc + lax.axis_index("c")
        pltpu.sync_copy(pos_hbm.at[wid], idx_v)
        rows = (rows0, rows1)
        accs = (acc0, acc1)
        gsems = (gs0, gs1)
        wsems = (ws0, ws1)
        gath = [pltpu.async_copy(y_hbm.at[idx_v.at[0]], rows0, gs0),
                pltpu.async_copy(y_hbm.at[idx_v.at[1]], rows1, gs1)]
        wrs = [None, None]
        for c in range(n_ch):
            b = c % 2
            gath[b].wait()
            if c >= 2:
                wrs[b].wait()

            def col_body(ci, j, _b=b):
                a = rows[_b][2 * j, pl.ds(ci * 16, 16)]
                bb = rows[_b][2 * j + 1, pl.ds(ci * 16, 16)]
                accs[_b][j, pl.ds(ci * 16, 16)] = a + bb
                return j

            def tok_body(j, _, _cb=col_body):
                lax.fori_loop(0, H // 16, _cb, j)
                return 0

            lax.fori_loop(0, ch, tok_body, 0)
            wrs[b] = pltpu.async_copy(
                accs[b], out_hbm.at[pl.ds(wid * tok_pw + c * ch, ch)],
                wsems[b])
            if c + 2 < n_ch:
                gath[b] = pltpu.async_copy(
                    y_hbm.at[idx_v.at[c + 2]], rows[b], gsems[b])
        wrs[0].wait()
        wrs[1].wait()

    return combine_k(y, pos.reshape(nw, n_ch, 2 * ch))


def kernel(hidden_states, top_k_index, top_k_weights, gate_up_proj, down_proj):
    w_pad, pos, meta = _routing_metadata(top_k_index, top_k_weights)
    xg = _dispatch_rows(hidden_states, pos)
    y = _grouped_mlp(xg, gate_up_proj, down_proj, w_pad, meta)
    return _combine(y, pos)

# --- scband reference (transcript-rebuilt; emitter-appended) ---
"""Pipeline reference for scband-gemma4-text-experts-83665962926755 (READ-ONLY COPY).

The authoritative reference and input builder live on the scoring server;
editing this copy changes nothing except your own understanding.
"""

import jax, jax.numpy as jnp
import numpy as np

NUM_EXPERTS = 8
HIDDEN = 1024
INTER = 2048
TOKENS = 2048
TOPK = 2


def setup_inputs(seed: int = 0) -> dict:
    key = jax.random.key(seed)
    k1, k2, k3, k4, k5 = jax.random.split(key, 5)
    hidden_states = jax.random.normal(k1, (TOKENS, HIDDEN), dtype=jnp.float32)
    top_k_index = jax.random.randint(k2, (TOKENS, TOPK), 0, NUM_EXPERTS)
    top_k_weights = jax.random.uniform(k3, (TOKENS, TOPK), dtype=jnp.float32)
    gate_up_proj = jax.random.normal(k4, (NUM_EXPERTS, 2 * INTER, HIDDEN), dtype=jnp.float32) * 0.02
    down_proj = jax.random.normal(k5, (NUM_EXPERTS, HIDDEN, INTER), dtype=jnp.float32) * 0.02
    return {
        "hidden_states": hidden_states,
        "top_k_index": top_k_index,
        "top_k_weights": top_k_weights,
        "gate_up_proj": gate_up_proj,
        "down_proj": down_proj,
    }


def reference(hidden_states, top_k_index, top_k_weights, gate_up_proj, down_proj):
    # Faithful translation of Gemma4TextExperts_forward: per-expert gated FFN
    # (gate/up chunked from a fused gate_up projection, gelu_pytorch_tanh
    # activation, down projection), weighted by router top-k weights and
    # accumulated into token order via scatter-add. Tokens not routed to an
    # expert receive weight 0, which is mathematically identical to the
    # index-gather/index_add formulation in the torch code (index_add also
    # accumulates duplicate expert hits within a row).
    num_experts = gate_up_proj.shape[0]
    final = jnp.zeros_like(hidden_states)
    for e in range(num_experts):
        # sum of routing weights assigned to expert e per token (0 if not routed)
        w_e = jnp.sum(jnp.where(top_k_index == e, top_k_weights, 0.0), axis=-1)
        proj = hidden_states @ gate_up_proj[e].T  # [T, 2*INTER]
        gate, up = jnp.split(proj, 2, axis=-1)
        h = jax.nn.gelu(gate, approximate=True) * up
        h = h @ down_proj[e].T  # [T, HIDDEN]
        final = final + h * w_e[:, None]
    return final

if __name__ == "__main__":
    import jax
    _d = setup_inputs()
    print(jax.jit(kernel)(*tuple(_d.values())))

</pallas_src>

<mosaic_0001>
#map = affine_map<(d0, d1) -> (0, 0)>
#map1 = affine_map<(d0, d1) -> (0, 0, 0)>
module attributes {stable_mosaic.version = 14 : i64} {
  func.func @dispatch_k(%arg0: i32, %arg1: i32, %arg2: memref<2048x1024xf32, #tpu.memory_space<hbm>>, %arg3: memref<32x2x64xi32, #tpu.memory_space<hbm>>, %arg4: memref<6144x1024xf32, #tpu.memory_space<hbm>>, %arg5: memref<2x64xi32, #tpu.memory_space<vmem>>, %arg6: memref<64x1024xf32, #tpu.memory_space<vmem>>, %arg7: memref<!tpu.dma_semaphore, #tpu.memory_space<semaphore_mem>>, %arg8: memref<!tpu.dma_semaphore, #tpu.memory_space<semaphore_mem>>) attributes {dimension_semantics = [#tpu.dimension_semantics<core_parallel>, #tpu.dimension_semantics<subcore_parallel>], iteration_bounds = array<i64: 2, 16>, scalar_prefetch = 0 : i64, scratch_operands = 4 : i64, tpu.core_type = #tpu.core_type<sc_vector_subcore>, window_params = [{transform_indices = #map}, {transform_indices = #map1}, {transform_indices = #map}]} {
    %mul3A = arith.constant 2 : i32
    %mul3A_0 = arith.muli %arg1, %mul3A : i32
    %add3A = arith.addi %mul3A_0, %arg0 : i32
    "tpu.region"() ({
      %run_scoped3A = tpu.sem_alloc : memref<!tpu.dma_semaphore, #tpu.memory_space<semaphore_mem>>
      %dma_start3A_29 = arith.constant 0 : i32
      %dma_start3A_30 = arith.constant 0 : i32
      %dma_start3A_31 = tpu.memref_slice %arg3[%add3A, %dma_start3A_29, %dma_start3A_30] : memref<32x2x64xi32, #tpu.memory_space<hbm>> -> memref<1x2x64xi32, #tpu.memory_space<hbm>>
      %dma_start3A_32 = tpu.memref_squeeze %dma_start3A_31 : memref<1x2x64xi32, #tpu.memory_space<hbm>> -> memref<2x64xi32, #tpu.memory_space<hbm>>
      %dma_start3A_33 = arith.constant 0 : i32
      %dma_start3A_34 = arith.constant 0 : i32
      %dma_start3A_35 = tpu.memref_slice %arg3[%add3A, %dma_start3A_33, %dma_start3A_34] : memref<32x2x64xi32, #tpu.memory_space<hbm>> -> memref<1x2x64xi32, #tpu.memory_space<hbm>>
      %dma_start3A_36 = tpu.memref_squeeze %dma_start3A_35 : memref<1x2x64xi32, #tpu.memory_space<hbm>> -> memref<2x64xi32, #tpu.memory_space<hbm>>
      tpu.enqueue_dma source(%dma_start3A_36 : memref<2x64xi32, #tpu.memory_space<hbm>>) target(%arg5 : memref<2x64xi32, #tpu.memory_space<vmem>>) target_semaphore(%run_scoped3A : memref<!tpu.dma_semaphore, #tpu.memory_space<semaphore_mem>>)
      %dma_wait3A_37 = arith.constant 0 : i32
      %dma_wait3A_38 = arith.constant 0 : i32
      %dma_wait3A_39 = tpu.memref_slice %arg3[%add3A, %dma_wait3A_37, %dma_wait3A_38] : memref<32x2x64xi32, #tpu.memory_space<hbm>> -> memref<1x2x64xi32, #tpu.memory_space<hbm>>
      %dma_wait3A_40 = tpu.memref_squeeze %dma_wait3A_39 : memref<1x2x64xi32, #tpu.memory_space<hbm>> -> memref<2x64xi32, #tpu.memory_space<hbm>>
      %dma_wait3A_41 = arith.constant 0 : i32
      %dma_wait3A_42 = arith.constant 0 : i32
      %dma_wait3A_43 = tpu.memref_slice %arg3[%add3A, %dma_wait3A_41, %dma_wait3A_42] : memref<32x2x64xi32, #tpu.memory_space<hbm>> -> memref<1x2x64xi32, #tpu.memory_space<hbm>>
      %dma_wait3A_44 = tpu.memref_squeeze %dma_wait3A_43 : memref<1x2x64xi32, #tpu.memory_space<hbm>> -> memref<2x64xi32, #tpu.memory_space<hbm>>
      tpu.wait_dma2 semaphore(%run_scoped3A : memref<!tpu.dma_semaphore, #tpu.memory_space<semaphore_mem>>) src(%dma_wait3A_44 : memref<2x64xi32, #tpu.memory_space<hbm>>) dst(%arg5 : memref<2x64xi32, #tpu.memory_space<vmem>>)
      tpu.yield
    }) : () -> ()
    %mul3A_1 = arith.constant 64 : i32
    %mul3A_2 = arith.muli %add3A, %mul3A_1 : i32
    "tpu.region"() ({
      %run_scoped3A = tpu.sem_alloc : memref<!tpu.dma_semaphore, #tpu.memory_space<semaphore_mem>>
      %dma_start3A_29 = arith.constant 0 : i32
      %dma_start3A_30 = tpu.memref_slice %arg2[%mul3A_2, %dma_start3A_29] : memref<2048x1024xf32, #tpu.memory_space<hbm>> -> memref<64x1024xf32, #tpu.memory_space<hbm>>
      %dma_start3A_31 = arith.constant 0 : i32
      %dma_start3A_32 = tpu.memref_slice %arg2[%mul3A_2, %dma_start3A_31] : memref<2048x1024xf32, #tpu.memory_space<hbm>> -> memref<64x1024xf32, #tpu.memory_space<hbm>>
      tpu.enqueue_dma source(%dma_start3A_32 : memref<64x1024xf32, #tpu.memory_space<hbm>>) target(%arg6 : memref<64x1024xf32, #tpu.memory_space<vmem>>) target_semaphore(%run_scoped3A : memref<!tpu.dma_semaphore, #tpu.memory_space<semaphore_mem>>)
      %dma_wait3A_33 = arith.constant 0 : i32
      %dma_wait3A_34 = tpu.memref_slice %arg2[%mul3A_2, %dma_wait3A_33] : memref<2048x1024xf32, #tpu.memory_space<hbm>> -> memref<64x1024xf32, #tpu.memory_space<hbm>>
      %dma_wait3A_35 = arith.constant 0 : i32
      %dma_wait3A_36 = tpu.memref_slice %arg2[%mul3A_2, %dma_wait3A_35] : memref<2048x1024xf32, #tpu.memory_space<hbm>> -> memref<64x1024xf32, #tpu.memory_space<hbm>>
      tpu.wait_dma2 semaphore(%run_scoped3A : memref<!tpu.dma_semaphore, #tpu.memory_space<semaphore_mem>>) src(%dma_wait3A_36 : memref<64x1024xf32, #tpu.memory_space<hbm>>) dst(%arg6 : memref<64x1024xf32, #tpu.memory_space<vmem>>)
      tpu.yield
    }) : () -> ()
    %dma_start3A = arith.constant 0 : i32
    %dma_start3A_3 = arith.constant 0 : i32
    %dma_start3A_4 = tpu.memref_slice %arg5[%dma_start3A, %dma_start3A_3] : memref<2x64xi32, #tpu.memory_space<vmem>> -> memref<1x64xi32, #tpu.memory_space<vmem>>
    %dma_start3A_5 = tpu.memref_squeeze %dma_start3A_4 : memref<1x64xi32, #tpu.memory_space<vmem>> -> memref<64xi32, #tpu.memory_space<vmem>>
    %dma_start3A_6 = arith.constant 0 : i32
    %dma_start3A_7 = arith.constant 0 : i32
    %dma_start3A_8 = tpu.memref_slice %arg4[%dma_start3A_6, %dma_start3A_7] : memref<6144x1024xf32, #tpu.memory_space<hbm>> -> memref<6144x1024xf32, #tpu.memory_space<hbm>>
    tpu.enqueue_indirect_dma source(%arg6 : memref<64x1024xf32, #tpu.memory_space<vmem>>) target(%dma_start3A_8 : memref<6144x1024xf32, #tpu.memory_space<hbm>>) offsets(%dma_start3A_5 : memref<64xi32, #tpu.memory_space<vmem>>) semaphore(%arg7 : memref<!tpu.dma_semaphore, #tpu.memory_space<semaphore_mem>>)
    %dma_start3A_9 = arith.constant 1 : i32
    %dma_start3A_10 = arith.constant 0 : i32
    %dma_start3A_11 = tpu.memref_slice %arg5[%dma_start3A_9, %dma_start3A_10] : memref<2x64xi32, #tpu.memory_space<vmem>> -> memref<1x64xi32, #tpu.memory_space<vmem>>
    %dma_start3A_12 = tpu.memref_squeeze %dma_start3A_11 : memref<1x64xi32, #tpu.memory_space<vmem>> -> memref<64xi32, #tpu.memory_space<vmem>>
    %dma_start3A_13 = arith.constant 0 : i32
    %dma_start3A_14 = arith.constant 0 : i32
    %dma_start3A_15 = tpu.memref_slice %arg4[%dma_start3A_13, %dma_start3A_14] : memref<6144x1024xf32, #tpu.memory_space<hbm>> -> memref<6144x1024xf32, #tpu.memory_space<hbm>>
    tpu.enqueue_indirect_dma source(%arg6 : memref<64x1024xf32, #tpu.memory_space<vmem>>) target(%dma_start3A_15 : memref<6144x1024xf32, #tpu.memory_space<hbm>>) offsets(%dma_start3A_12 : memref<64xi32, #tpu.memory_space<vmem>>) semaphore(%arg8 : memref<!tpu.dma_semaphore, #tpu.memory_space<semaphore_mem>>)
    %dma_wait3A = arith.constant 0 : i32
    %dma_wait3A_16 = arith.constant 0 : i32
    %dma_wait3A_17 = tpu.memref_slice %arg5[%dma_wait3A, %dma_wait3A_16] : memref<2x64xi32, #tpu.memory_space<vmem>> -> memref<1x64xi32, #tpu.memory_space<vmem>>
    %dma_wait3A_18 = tpu.memref_squeeze %dma_wait3A_17 : memref<1x64xi32, #tpu.memory_space<vmem>> -> memref<64xi32, #tpu.memory_space<vmem>>
    %dma_wait3A_19 = arith.constant 0 : i32
    %dma_wait3A_20 = arith.constant 0 : i32
    %dma_wait3A_21 = tpu.memref_slice %arg4[%dma_wait3A_19, %dma_wait3A_20] : memref<6144x1024xf32, #tpu.memory_space<hbm>> -> memref<6144x1024xf32, #tpu.memory_space<hbm>>
    tpu.wait_indirect_dma semaphore(%arg7 : memref<!tpu.dma_semaphore, #tpu.memory_space<semaphore_mem>>) src(%arg6 : memref<64x1024xf32, #tpu.memory_space<vmem>>) dst(%dma_wait3A_21 : memref<6144x1024xf32, #tpu.memory_space<hbm>>)
    %dma_wait3A_22 = arith.constant 1 : i32
    %dma_wait3A_23 = arith.constant 0 : i32
    %dma_wait3A_24 = tpu.memref_slice %arg5[%dma_wait3A_22, %dma_wait3A_23] : memref<2x64xi32, #tpu.memory_space<vmem>> -> memref<1x64xi32, #tpu.memory_space<vmem>>
    %dma_wait3A_25 = tpu.memref_squeeze %dma_wait3A_24 : memref<1x64xi32, #tpu.memory_space<vmem>> -> memref<64xi32, #tpu.memory_space<vmem>>
    %dma_wait3A_26 = arith.constant 0 : i32
    %dma_wait3A_27 = arith.constant 0 : i32
    %dma_wait3A_28 = tpu.memref_slice %arg4[%dma_wait3A_26, %dma_wait3A_27] : memref<6144x1024xf32, #tpu.memory_space<hbm>> -> memref<6144x1024xf32, #tpu.memory_space<hbm>>
    tpu.wait_indirect_dma semaphore(%arg8 : memref<!tpu.dma_semaphore, #tpu.memory_space<semaphore_mem>>) src(%arg6 : memref<64x1024xf32, #tpu.memory_space<vmem>>) dst(%dma_wait3A_28 : memref<6144x1024xf32, #tpu.memory_space<hbm>>)
    return
  }
}

#map = affine_map<(d0, d1) -> (0, 0)>
#map1 = affine_map<(d0, d1) -> (0, 0, 0)>
module attributes {stable_mosaic.version = 14 : i64} {
  func.func @combine_k(%arg0: i32, %arg1: i32, %arg2: memref<6144x1024xf32, #tpu.memory_space<hbm>>, %arg3: memref<32x4x32xi32, #tpu.memory_space<hbm>>, %arg4: memref<2048x1024xf32, #tpu.memory_space<hbm>>, %arg5: memref<4x32xi32, #tpu.memory_space<vmem>>, %arg6: memref<32x1024xf32, #tpu.memory_space<vmem>>, %arg7: memref<32x1024xf32, #tpu.memory_space<vmem>>, %arg8: memref<16x1024xf32, #tpu.memory_space<vmem>>, %arg9: memref<16x1024xf32, #tpu.memory_space<vmem>>, %arg10: memref<!tpu.dma_semaphore, #tpu.memory_space<semaphore_mem>>, %arg11: memref<!tpu.dma_semaphore, #tpu.memory_space<semaphore_mem>>, %arg12: memref<!tpu.dma_semaphore, #tpu.memory_space<semaphore_mem>>, %arg13: memref<!tpu.dma_semaphore, #tpu.memory_space<semaphore_mem>>) attributes {dimension_semantics = [#tpu.dimension_semantics<core_parallel>, #tpu.dimension_semantics<subcore_parallel>], iteration_bounds = array<i64: 2, 16>, scalar_prefetch = 0 : i64, scratch_operands = 9 : i64, tpu.core_type = #tpu.core_type<sc_vector_subcore>, window_params = [{transform_indices = #map}, {transform_indices = #map1}, {transform_indices = #map}]} {
    %mul3A = arith.constant 2 : i32
    %mul3A_0 = arith.muli %arg1, %mul3A : i32
    %add3A = arith.addi %mul3A_0, %arg0 : i32
    "tpu.region"() ({
      %run_scoped3A = tpu.sem_alloc : memref<!tpu.dma_semaphore, #tpu.memory_space<semaphore_mem>>
      %dma_start3A_130 = arith.constant 0 : i32
      %dma_start3A_131 = arith.constant 0 : i32
      %dma_start3A_132 = tpu.memref_slice %arg3[%add3A, %dma_start3A_130, %dma_start3A_131] : memref<32x4x32xi32, #tpu.memory_space<hbm>> -> memref<1x4x32xi32, #tpu.memory_space<hbm>>
      %dma_start3A_133 = tpu.memref_squeeze %dma_start3A_132 : memref<1x4x32xi32, #tpu.memory_space<hbm>> -> memref<4x32xi32, #tpu.memory_space<hbm>>
      %dma_start3A_134 = arith.constant 0 : i32
      %dma_start3A_135 = arith.constant 0 : i32
      %dma_start3A_136 = tpu.memref_slice %arg3[%add3A, %dma_start3A_134, %dma_start3A_135] : memref<32x4x32xi32, #tpu.memory_space<hbm>> -> memref<1x4x32xi32, #tpu.memory_space<hbm>>
      %dma_start3A_137 = tpu.memref_squeeze %dma_start3A_136 : memref<1x4x32xi32, #tpu.memory_space<hbm>> -> memref<4x32xi32, #tpu.memory_space<hbm>>
      tpu.enqueue_dma source(%dma_start3A_137 : memref<4x32xi32, #tpu.memory_space<hbm>>) target(%arg5 : memref<4x32xi32, #tpu.memory_space<vmem>>) target_semaphore(%run_scoped3A : memref<!tpu.dma_semaphore, #tpu.memory_space<semaphore_mem>>)
      %dma_wait3A_138 = arith.constant 0 : i32
      %dma_wait3A_139 = arith.constant 0 : i32
      %dma_wait3A_140 = tpu.memref_slice %arg3[%add3A, %dma_wait3A_138, %dma_wait3A_139] : memref<32x4x32xi32, #tpu.memory_space<hbm>> -> memref<1x4x32xi32, #tpu.memory_space<hbm>>
      %dma_wait3A_141 = tpu.memref_squeeze %dma_wait3A_140 : memref<1x4x32xi32, #tpu.memory_space<hbm>> -> memref<4x32xi32, #tpu.memory_space<hbm>>
      %dma_wait3A_142 = arith.constant 0 : i32
      %dma_wait3A_143 = arith.constant 0 : i32
      %dma_wait3A_144 = tpu.memref_slice %arg3[%add3A, %dma_wait3A_142, %dma_wait3A_143] : memref<32x4x32xi32, #tpu.memory_space<hbm>> -> memref<1x4x32xi32, #tpu.memory_space<hbm>>
      %dma_wait3A_145 = tpu.memref_squeeze %dma_wait3A_144 : memref<1x4x32xi32, #tpu.memory_space<hbm>> -> memref<4x32xi32, #tpu.memory_space<hbm>>
      tpu.wait_dma2 semaphore(%run_scoped3A : memref<!tpu.dma_semaphore, #tpu.memory_space<semaphore_mem>>) src(%dma_wait3A_145 : memref<4x32xi32, #tpu.memory_space<hbm>>) dst(%arg5 : memref<4x32xi32, #tpu.memory_space<vmem>>)
      tpu.yield
    }) : () -> ()
    %dma_start3A = arith.constant 0 : i32
    %dma_start3A_1 = arith.constant 0 : i32
    %dma_start3A_2 = tpu.memref_slice %arg5[%dma_start3A, %dma_start3A_1] : memref<4x32xi32, #tpu.memory_space<vmem>> -> memref<1x32xi32, #tpu.memory_space<vmem>>
    %dma_start3A_3 = tpu.memref_squeeze %dma_start3A_2 : memref<1x32xi32, #tpu.memory_space<vmem>> -> memref<32xi32, #tpu.memory_space<vmem>>
    %dma_start3A_4 = arith.constant 0 : i32
    %dma_start3A_5 = arith.constant 0 : i32
    %dma_start3A_6 = tpu.memref_slice %arg2[%dma_start3A_4, %dma_start3A_5] : memref<6144x1024xf32, #tpu.memory_space<hbm>> -> memref<6144x1024xf32, #tpu.memory_space<hbm>>
    tpu.enqueue_indirect_dma source(%dma_start3A_6 : memref<6144x1024xf32, #tpu.memory_space<hbm>>) target(%arg6 : memref<32x1024xf32, #tpu.memory_space<vmem>>) offsets(%dma_start3A_3 : memref<32xi32, #tpu.memory_space<vmem>>) semaphore(%arg10 : memref<!tpu.dma_semaphore, #tpu.memory_space<semaphore_mem>>)
    %dma_start3A_7 = arith.constant 1 : i32
    %dma_start3A_8 = arith.constant 0 : i32
    %dma_start3A_9 = tpu.memref_slice %arg5[%dma_start3A_7, %dma_start3A_8] : memref<4x32xi32, #tpu.memory_space<vmem>> -> memref<1x32xi32, #tpu.memory_space<vmem>>
    %dma_start3A_10 = tpu.memref_squeeze %dma_start3A_9 : memref<1x32xi32, #tpu.memory_space<vmem>> -> memref<32xi32, #tpu.memory_space<vmem>>
    %dma_start3A_11 = arith.constant 0 : i32
    %dma_start3A_12 = arith.constant 0 : i32
    %dma_start3A_13 = tpu.memref_slice %arg2[%dma_start3A_11, %dma_start3A_12] : memref<6144x1024xf32, #tpu.memory_space<hbm>> -> memref<6144x1024xf32, #tpu.memory_space<hbm>>
    tpu.enqueue_indirect_dma source(%dma_start3A_13 : memref<6144x1024xf32, #tpu.memory_space<hbm>>) target(%arg7 : memref<32x1024xf32, #tpu.memory_space<vmem>>) offsets(%dma_start3A_10 : memref<32xi32, #tpu.memory_space<vmem>>) semaphore(%arg11 : memref<!tpu.dma_semaphore, #tpu.memory_space<semaphore_mem>>)
    %dma_wait3A = arith.constant 0 : i32
    %dma_wait3A_14 = arith.constant 0 : i32
    %dma_wait3A_15 = tpu.memref_slice %arg5[%dma_wait3A, %dma_wait3A_14] : memref<4x32xi32, #tpu.memory_space<vmem>> -> memref<1x32xi32, #tpu.memory_space<vmem>>
    %dma_wait3A_16 = tpu.memref_squeeze %dma_wait3A_15 : memref<1x32xi32, #tpu.memory_space<vmem>> -> memref<32xi32, #tpu.memory_space<vmem>>
    %dma_wait3A_17 = arith.constant 0 : i32
    %dma_wait3A_18 = arith.constant 0 : i32
    %dma_wait3A_19 = tpu.memref_slice %arg2[%dma_wait3A_17, %dma_wait3A_18] : memref<6144x1024xf32, #tpu.memory_space<hbm>> -> memref<6144x1024xf32, #tpu.memory_space<hbm>>
    tpu.wait_indirect_dma semaphore(%arg10 : memref<!tpu.dma_semaphore, #tpu.memory_space<semaphore_mem>>) src(%dma_wait3A_19 : memref<6144x1024xf32, #tpu.memory_space<hbm>>) dst(%arg6 : memref<32x1024xf32, #tpu.memory_space<vmem>>)
    %scan3A = arith.constant 0 : i32
    %scan3A_20 = arith.constant 0 : i32
    %scan3A_21 = arith.constant 16 : i32
    %scan3A_22 = arith.addi %scan3A_20, %scan3A_21 : i32
    %scan3A_23 = arith.constant 1 : i32
    %scan3A_24 = scf.for %scan3A_130 = %scan3A_20 to %scan3A_22 step %scan3A_23 iter_args(%scan3A_131 = %scan3A) -> (i32)  : i32 {
      %scan3A_132 = arith.constant 0 : i32
      %scan3A_133 = arith.constant 64 : i32
      %scan3A_134 = arith.addi %scan3A_132, %scan3A_133 : i32
      %scan3A_135 = arith.constant 1 : i32
      scf.for %scan3A_138 = %scan3A_132 to %scan3A_134 step %scan3A_135  : i32 {
        %mul3A_139 = arith.constant 2 : i32
        %mul3A_140 = arith.muli %mul3A_139, %scan3A_130 : i32
        %mul3A_141 = arith.constant 16 : i32
        %mul3A_142 = arith.muli %scan3A_138, %mul3A_141 : i32
        %get3A = arith.index_cast %mul3A_140 : i32 to index
        %get3A_143 = arith.index_cast %mul3A_142 : i32 to index
        %get3A_144 = tpu.vector_load %arg6[%get3A, %get3A_143] {strides = array<i32>} : memref<32x1024xf32, #tpu.memory_space<vmem>>, vector<1x16xf32>,
        %get3A_145 = vector.shape_cast %get3A_144 : vector<1x16xf32> to vector<16xf32>
        %mul3A_146 = arith.constant 2 : i32
        %mul3A_147 = arith.muli %mul3A_146, %scan3A_130 : i32
        %add3A_148 = arith.constant 1 : i32
        %add3A_149 = arith.addi %mul3A_147, %add3A_148 : i32
        %mul3A_150 = arith.constant 16 : i32
        %mul3A_151 = arith.muli %scan3A_138, %mul3A_150 : i32
        %get3A_152 = arith.index_cast %add3A_149 : i32 to index
        %get3A_153 = arith.index_cast %mul3A_151 : i32 to index
        %get3A_154 = tpu.vector_load %arg6[%get3A_152, %get3A_153] {strides = array<i32>} : memref<32x1024xf32, #tpu.memory_space<vmem>>, vector<1x16xf32>,
        %get3A_155 = vector.shape_cast %get3A_154 : vector<1x16xf32> to vector<16xf32>
        %add3A_156 = arith.addf %get3A_145, %get3A_155 : vector<16xf32>
        %mul3A_157 = arith.constant 16 : i32
        %mul3A_158 = arith.muli %scan3A_138, %mul3A_157 : i32
        %swap3A = arith.index_cast %scan3A_130 : i32 to index
        %swap3A_159 = arith.index_cast %mul3A_158 : i32 to index
        %swap3A_160 = tpu.vector_load %arg8[%swap3A, %swap3A_159] {strides = array<i32>} : memref<16x1024xf32, #tpu.memory_space<vmem>>, vector<1x16xf32>,
        %swap3A_161 = vector.shape_cast %swap3A_160 : vector<1x16xf32> to vector<16xf32>
        %swap3A_162 = vector.shape_cast %add3A_156 : vector<16xf32> to vector<1x16xf32>
        tpu.vector_store %arg8[%swap3A, %swap3A_159], %swap3A_162 {strides = array<i32>} : memref<16x1024xf32, #tpu.memory_space<vmem>>, vector<1x16xf32>,
      }
      %scan3A_136 = arith.constant 64 : i32
      %scan3A_137 = arith.constant 0 : i32
      scf.yield %scan3A_137 : i32
    }
    %scan3A_25 = arith.constant 16 : i32
    %mul3A_26 = arith.constant 64 : i32
    %mul3A_27 = arith.muli %add3A, %mul3A_26 : i32
    %add3A_28 = arith.constant 0 : i32
    %add3A_29 = arith.addi %mul3A_27, %add3A_28 : i32
    %dma_start3A_30 = arith.constant 0 : i32
    %dma_start3A_31 = tpu.memref_slice %arg4[%add3A_29, %dma_start3A_30] : memref<2048x1024xf32, #tpu.memory_space<hbm>> -> memref<16x1024xf32, #tpu.memory_space<hbm>>
    %dma_start3A_32 = arith.constant 0 : i32
    %dma_start3A_33 = tpu.memref_slice %arg4[%add3A_29, %dma_start3A_32] : memref<2048x1024xf32, #tpu.memory_space<hbm>> -> memref<16x1024xf32, #tpu.memory_space<hbm>>
    tpu.enqueue_dma source(%arg8 : memref<16x1024xf32, #tpu.memory_space<vmem>>) target(%dma_start3A_33 : memref<16x1024xf32, #tpu.memory_space<hbm>>) target_semaphore(%arg12 : memref<!tpu.dma_semaphore, #tpu.memory_space<semaphore_mem>>)
    %dma_start3A_34 = arith.constant 2 : i32
    %dma_start3A_35 = arith.constant 0 : i32
    %dma_start3A_36 = tpu.memref_slice %arg5[%dma_start3A_34, %dma_start3A_35] : memref<4x32xi32, #tpu.memory_space<vmem>> -> memref<1x32xi32, #tpu.memory_space<vmem>>
    %dma_start3A_37 = tpu.memref_squeeze %dma_start3A_36 : memref<1x32xi32, #tpu.memory_space<vmem>> -> memref<32xi32, #tpu.memory_space<vmem>>
    %dma_start3A_38 = arith.constant 0 : i32
    %dma_start3A_39 = arith.constant 0 : i32
    %dma_start3A_40 = tpu.memref_slice %arg2[%dma_start3A_38, %dma_start3A_39] : memref<6144x1024xf32, #tpu.memory_space<hbm>> -> memref<6144x1024xf32, #tpu.memory_space<hbm>>
    tpu.enqueue_indirect_dma source(%dma_start3A_40 : memref<6144x1024xf32, #tpu.memory_space<hbm>>) target(%arg6 : memref<32x1024xf32, #tpu.memory_space<vmem>>) offsets(%dma_start3A_37 : memref<32xi32, #tpu.memory_space<vmem>>) semaphore(%arg10 : memref<!tpu.dma_semaphore, #tpu.memory_space<semaphore_mem>>)
    %dma_wait3A_41 = arith.constant 1 : i32
    %dma_wait3A_42 = arith.constant 0 : i32
    %dma_wait3A_43 = tpu.memref_slice %arg5[%dma_wait3A_41, %dma_wait3A_42] : memref<4x32xi32, #tpu.memory_space<vmem>> -> memref<1x32xi32, #tpu.memory_space<vmem>>
    %dma_wait3A_44 = tpu.memref_squeeze %dma_wait3A_43 : memref<1x32xi32, #tpu.memory_space<vmem>> -> memref<32xi32, #tpu.memory_space<vmem>>
    %dma_wait3A_45 = arith.constant 0 : i32
    %dma_wait3A_46 = arith.constant 0 : i32
    %dma_wait3A_47 = tpu.memref_slice %arg2[%dma_wait3A_45, %dma_wait3A_46] : memref<6144x1024xf32, #tpu.memory_space<hbm>> -> memref<6144x1024xf32, #tpu.memory_space<hbm>>
    tpu.wait_indirect_dma semaphore(%arg11 : memref<!tpu.dma_semaphore, #tpu.memory_space<semaphore_mem>>) src(%dma_wait3A_47 : memref<6144x1024xf32, #tpu.memory_space<hbm>>) dst(%arg7 : memref<32x1024xf32, #tpu.memory_space<vmem>>)
    %scan3A_48 = arith.constant 0 : i32
    %scan3A_49 = arith.constant 0 : i32
    %scan3A_50 = arith.constant 16 : i32
    %scan3A_51 = arith.addi %scan3A_49, %scan3A_50 : i32
    %scan3A_52 = arith.constant 1 : i32
    %scan3A_53 = scf.for %scan3A_130 = %scan3A_49 to %scan3A_51 step %scan3A_52 iter_args(%scan3A_131 = %scan3A_48) -> (i32)  : i32 {
      %scan3A_132 = arith.constant 0 : i32
      %scan3A_133 = arith.constant 64 : i32
      %scan3A_134 = arith.addi %scan3A_132, %scan3A_133 : i32
      %scan3A_135 = arith.constant 1 : i32
      scf.for %scan3A_138 = %scan3A_132 to %scan3A_134 step %scan3A_135  : i32 {
        %mul3A_139 = arith.constant 2 : i32
        %mul3A_140 = arith.muli %mul3A_139, %scan3A_130 : i32
        %mul3A_141 = arith.constant 16 : i32
        %mul3A_142 = arith.muli %scan3A_138, %mul3A_141 : i32
        %get3A = arith.index_cast %mul3A_140 : i32 to index
        %get3A_143 = arith.index_cast %mul3A_142 : i32 to index
        %get3A_144 = tpu.vector_load %arg7[%get3A, %get3A_143] {strides = array<i32>} : memref<32x1024xf32, #tpu.memory_space<vmem>>, vector<1x16xf32>,
        %get3A_145 = vector.shape_cast %get3A_144 : vector<1x16xf32> to vector<16xf32>
        %mul3A_146 = arith.constant 2 : i32
        %mul3A_147 = arith.muli %mul3A_146, %scan3A_130 : i32
        %add3A_148 = arith.constant 1 : i32
        %add3A_149 = arith.addi %mul3A_147, %add3A_148 : i32
        %mul3A_150 = arith.constant 16 : i32
        %mul3A_151 = arith.muli %scan3A_138, %mul3A_150 : i32
        %get3A_152 = arith.index_cast %add3A_149 : i32 to index
        %get3A_153 = arith.index_cast %mul3A_151 : i32 to index
        %get3A_154 = tpu.vector_load %arg7[%get3A_152, %get3A_153] {strides = array<i32>} : memref<32x1024xf32, #tpu.memory_space<vmem>>, vector<1x16xf32>,
        %get3A_155 = vector.shape_cast %get3A_154 : vector<1x16xf32> to vector<16xf32>
        %add3A_156 = arith.addf %get3A_145, %get3A_155 : vector<16xf32>
        %mul3A_157 = arith.constant 16 : i32
        %mul3A_158 = arith.muli %scan3A_138, %mul3A_157 : i32
        %swap3A = arith.index_cast %scan3A_130 : i32 to index
        %swap3A_159 = arith.index_cast %mul3A_158 : i32 to index
        %swap3A_160 = tpu.vector_load %arg9[%swap3A, %swap3A_159] {strides = array<i32>} : memref<16x1024xf32, #tpu.memory_space<vmem>>, vector<1x16xf32>,
        %swap3A_161 = vector.shape_cast %swap3A_160 : vector<1x16xf32> to vector<16xf32>
        %swap3A_162 = vector.shape_cast %add3A_156 : vector<16xf32> to vector<1x16xf32>
        tpu.vector_store %arg9[%swap3A, %swap3A_159], %swap3A_162 {strides = array<i32>} : memref<16x1024xf32, #tpu.memory_space<vmem>>, vector<1x16xf32>,
      }
      %scan3A_136 = arith.constant 64 : i32
      %scan3A_137 = arith.constant 0 : i32
      scf.yield %scan3A_137 : i32
    }
    %scan3A_54 = arith.constant 16 : i32
    %mul3A_55 = arith.constant 64 : i32
    %mul3A_56 = arith.muli %add3A, %mul3A_55 : i32
    %add3A_57 = arith.constant 16 : i32
    %add3A_58 = arith.addi %mul3A_56, %add3A_57 : i32
    %dma_start3A_59 = arith.constant 0 : i32
    %dma_start3A_60 = tpu.memref_slice %arg4[%add3A_58, %dma_start3A_59] : memref<2048x1024xf32, #tpu.memory_space<hbm>> -> memref<16x1024xf32, #tpu.memory_space<hbm>>
    %dma_start3A_61 = arith.constant 0 : i32
    %dma_start3A_62 = tpu.memref_slice %arg4[%add3A_58, %dma_start3A_61] : memref<2048x1024xf32, #tpu.memory_space<hbm>> -> memref<16x1024xf32, #tpu.memory_space<hbm>>
    tpu.enqueue_dma source(%arg9 : memref<16x1024xf32, #tpu.memory_space<vmem>>) target(%dma_start3A_62 : memref<16x1024xf32, #tpu.memory_space<hbm>>) target_semaphore(%arg13 : memref<!tpu.dma_semaphore, #tpu.memory_space<semaphore_mem>>)
    %dma_start3A_63 = arith.constant 3 : i32
    %dma_start3A_64 = arith.constant 0 : i32
    %dma_start3A_65 = tpu.memref_slice %arg5[%dma_start3A_63, %dma_start3A_64] : memref<4x32xi32, #tpu.memory_space<vmem>> -> memref<1x32xi32, #tpu.memory_space<vmem>>
    %dma_start3A_66 = tpu.memref_squeeze %dma_start3A_65 : memref<1x32xi32, #tpu.memory_space<vmem>> -> memref<32xi32, #tpu.memory_space<vmem>>
    %dma_start3A_67 = arith.constant 0 : i32
    %dma_start3A_68 = arith.constant 0 : i32
    %dma_start3A_69 = tpu.memref_slice %arg2[%dma_start3A_67, %dma_start3A_68] : memref<6144x1024xf32, #tpu.memory_space<hbm>> -> memref<6144x1024xf32, #tpu.memory_space<hbm>>
    tpu.enqueue_indirect_dma source(%dma_start3A_69 : memref<6144x1024xf32, #tpu.memory_space<hbm>>) target(%arg7 : memref<32x1024xf32, #tpu.memory_space<vmem>>) offsets(%dma_start3A_66 : memref<32xi32, #tpu.memory_space<vmem>>) semaphore(%arg11 : memref<!tpu.dma_semaphore, #tpu.memory_space<semaphore_mem>>)
    %dma_wait3A_70 = arith.constant 2 : i32
    %dma_wait3A_71 = arith.constant 0 : i32
    %dma_wait3A_72 = tpu.memref_slice %arg5[%dma_wait3A_70, %dma_wait3A_71] : memref<4x32xi32, #tpu.memory_space<vmem>> -> memref<1x32xi32, #tpu.memory_space<vmem>>
    %dma_wait3A_73 = tpu.memref_squeeze %dma_wait3A_72 : memref<1x32xi32, #tpu.memory_space<vmem>> -> memref<32xi32, #tpu.memory_space<vmem>>
    %dma_wait3A_74 = arith.constant 0 : i32
    %dma_wait3A_75 = arith.constant 0 : i32
    %dma_wait3A_76 = tpu.memref_slice %arg2[%dma_wait3A_74, %dma_wait3A_75] : memref<6144x1024xf32, #tpu.memory_space<hbm>> -> memref<6144x1024xf32, #tpu.memory_space<hbm>>
    tpu.wait_indirect_dma semaphore(%arg10 : memref<!tpu.dma_semaphore, #tpu.memory_space<semaphore_mem>>) src(%dma_wait3A_76 : memref<6144x1024xf32, #tpu.memory_space<hbm>>) dst(%arg6 : memref<32x1024xf32, #tpu.memory_space<vmem>>)
    %dma_wait3A_77 = arith.constant 0 : i32
    %dma_wait3A_78 = tpu.memref_slice %arg4[%add3A_29, %dma_wait3A_77] : memref<2048x1024xf32, #tpu.memory_space<hbm>> -> memref<16x1024xf32, #tpu.memory_space<hbm>>
    %dma_wait3A_79 = arith.constant 0 : i32
    %dma_wait3A_80 = tpu.memref_slice %arg4[%add3A_29, %dma_wait3A_79] : memref<2048x1024xf32, #tpu.memory_space<hbm>> -> memref<16x1024xf32, #tpu.memory_space<hbm>>
    tpu.wait_dma2 semaphore(%arg12 : memref<!tpu.dma_semaphore, #tpu.memory_space<semaphore_mem>>) src(%arg8 : memref<16x1024xf32, #tpu.memory_space<vmem>>) dst(%dma_wait3A_80 : memref<16x1024xf32, #tpu.memory_space<hbm>>)
    %scan3A_81 = arith.constant 0 : i32
    %scan3A_82 = arith.constant 0 : i32
    %scan3A_83 = arith.constant 16 : i32
    %scan3A_84 = arith.addi %scan3A_82, %scan3A_83 : i32
    %scan3A_85 = arith.constant 1 : i32
    %scan3A_86 = scf.for %scan3A_130 = %scan3A_82 to %scan3A_84 step %scan3A_85 iter_args(%scan3A_131 = %scan3A_81) -> (i32)  : i32 {
      %scan3A_132 = arith.constant 0 : i32
      %scan3A_133 = arith.constant 64 : i32
      %scan3A_134 = arith.addi %scan3A_132, %scan3A_133 : i32
      %scan3A_135 = arith.constant 1 : i32
      scf.for %scan3A_138 = %scan3A_132 to %scan3A_134 step %scan3A_135  : i32 {
        %mul3A_139 = arith.constant 2 : i32
        %mul3A_140 = arith.muli %mul3A_139, %scan3A_130 : i32
        %mul3A_141 = arith.constant 16 : i32
        %mul3A_142 = arith.muli %scan3A_138, %mul3A_141 : i32
        %get3A = arith.index_cast %mul3A_140 : i32 to index
        %get3A_143 = arith.index_cast %mul3A_142 : i32 to index
        %get3A_144 = tpu.vector_load %arg6[%get3A, %get3A_143] {strides = array<i32>} : memref<32x1024xf32, #tpu.memory_space<vmem>>, vector<1x16xf32>,
        %get3A_145 = vector.shape_cast %get3A_144 : vector<1x16xf32> to vector<16xf32>
        %mul3A_146 = arith.constant 2 : i32
        %mul3A_147 = arith.muli %mul3A_146, %scan3A_130 : i32
        %add3A_148 = arith.constant 1 : i32
        %add3A_149 = arith.addi %mul3A_147, %add3A_148 : i32
        %mul3A_150 = arith.constant 16 : i32
        %mul3A_151 = arith.muli %scan3A_138, %mul3A_150 : i32
        %get3A_152 = arith.index_cast %add3A_149 : i32 to index
        %get3A_153 = arith.index_cast %mul3A_151 : i32 to index
        %get3A_154 = tpu.vector_load %arg6[%get3A_152, %get3A_153] {strides = array<i32>} : memref<32x1024xf32, #tpu.memory_space<vmem>>, vector<1x16xf32>,
        %get3A_155 = vector.shape_cast %get3A_154 : vector<1x16xf32> to vector<16xf32>
        %add3A_156 = arith.addf %get3A_145, %get3A_155 : vector<16xf32>
        %mul3A_157 = arith.constant 16 : i32
        %mul3A_158 = arith.muli %scan3A_138, %mul3A_157 : i32
        %swap3A = arith.index_cast %scan3A_130 : i32 to index
        %swap3A_159 = arith.index_cast %mul3A_158 : i32 to index
        %swap3A_160 = tpu.vector_load %arg8[%swap3A, %swap3A_159] {strides = array<i32>} : memref<16x1024xf32, #tpu.memory_space<vmem>>, vector<1x16xf32>,
        %swap3A_161 = vector.shape_cast %swap3A_160 : vector<1x16xf32> to vector<16xf32>
        %swap3A_162 = vector.shape_cast %add3A_156 : vector<16xf32> to vector<1x16xf32>
        tpu.vector_store %arg8[%swap3A, %swap3A_159], %swap3A_162 {strides = array<i32>} : memref<16x1024xf32, #tpu.memory_space<vmem>>, vector<1x16xf32>,
      }
      %scan3A_136 = arith.constant 64 : i32
      %scan3A_137 = arith.constant 0 : i32
      scf.yield %scan3A_137 : i32
    }
    %scan3A_87 = arith.constant 16 : i32
    %mul3A_88 = arith.constant 64 : i32
    %mul3A_89 = arith.muli %add3A, %mul3A_88 : i32
    %add3A_90 = arith.constant 32 : i32
    %add3A_91 = arith.addi %mul3A_89, %add3A_90 : i32
    %dma_start3A_92 = arith.constant 0 : i32
    %dma_start3A_93 = tpu.memref_slice %arg4[%add3A_91, %dma_start3A_92] : memref<2048x1024xf32, #tpu.memory_space<hbm>> -> memref<16x1024xf32, #tpu.memory_space<hbm>>
    %dma_start3A_94 = arith.constant 0 : i32
    %dma_start3A_95 = tpu.memref_slice %arg4[%add3A_91, %dma_start3A_94] : memref<2048x1024xf32, #tpu.memory_space<hbm>> -> memref<16x1024xf32, #tpu.memory_space<hbm>>
    tpu.enqueue_dma source(%arg8 : memref<16x1024xf32, #tpu.memory_space<vmem>>) target(%dma_start3A_95 : memref<16x1024xf32, #tpu.memory_space<hbm>>) target_semaphore(%arg12 : memref<!tpu.dma_semaphore, #tpu.memory_space<semaphore_mem>>)
    %dma_wait3A_96 = arith.constant 3 : i32
    %dma_wait3A_97 = arith.constant 0 : i32
    %dma_wait3A_98 = tpu.memref_slice %arg5[%dma_wait3A_96, %dma_wait3A_97] : memref<4x32xi32, #tpu.memory_space<vmem>> -> memref<1x32xi32, #tpu.memory_space<vmem>>
    %dma_wait3A_99 = tpu.memref_squeeze %dma_wait3A_98 : memref<1x32xi32, #tpu.memory_space<vmem>> -> memref<32xi32, #tpu.memory_space<vmem>>
    %dma_wait3A_100 = arith.constant 0 : i32
    %dma_wait3A_101 = arith.constant 0 : i32
    %dma_wait3A_102 = tpu.memref_slice %arg2[%dma_wait3A_100, %dma_wait3A_101] : memref<6144x1024xf32, #tpu.memory_space<hbm>> -> memref<6144x1024xf32, #tpu.memory_space<hbm>>
    tpu.wait_indirect_dma semaphore(%arg11 : memref<!tpu.dma_semaphore, #tpu.memory_space<semaphore_mem>>) src(%dma_wait3A_102 : memref<6144x1024xf32, #tpu.memory_space<hbm>>) dst(%arg7 : memref<32x1024xf32, #tpu.memory_space<vmem>>)
    %dma_wait3A_103 = arith.constant 0 : i32
    %dma_wait3A_104 = tpu.memref_slice %arg4[%add3A_58, %dma_wait3A_103] : memref<2048x1024xf32, #tpu.memory_space<hbm>> -> memref<16x1024xf32, #tpu.memory_space<hbm>>
    %dma_wait3A_105 = arith.constant 0 : i32
    %dma_wait3A_106 = tpu.memref_slice %arg4[%add3A_58, %dma_wait3A_105] : memref<2048x1024xf32, #tpu.memory_space<hbm>> -> memref<16x1024xf32, #tpu.memory_space<hbm>>
    tpu.wait_dma2 semaphore(%arg13 : memref<!tpu.dma_semaphore, #tpu.memory_space<semaphore_mem>>) src(%arg9 : memref<16x1024xf32, #tpu.memory_space<vmem>>) dst(%dma_wait3A_106 : memref<16x1024xf32, #tpu.memory_space<hbm>>)
    %scan3A_107 = arith.constant 0 : i32
    %scan3A_108 = arith.constant 0 : i32
    %scan3A_109 = arith.constant 16 : i32
    %scan3A_110 = arith.addi %scan3A_108, %scan3A_109 : i32
    %scan3A_111 = arith.constant 1 : i32
    %scan3A_112 = scf.for %scan3A_130 = %scan3A_108 to %scan3A_110 step %scan3A_111 iter_args(%scan3A_131 = %scan3A_107) -> (i32)  : i32 {
      %scan3A_132 = arith.constant 0 : i32
      %scan3A_133 = arith.constant 64 : i32
      %scan3A_134 = arith.addi %scan3A_132, %scan3A_133 : i32
      %scan3A_135 = arith.constant 1 : i32
      scf.for %scan3A_138 = %scan3A_132 to %scan3A_134 step %scan3A_135  : i32 {
        %mul3A_139 = arith.constant 2 : i32
        %mul3A_140 = arith.muli %mul3A_139, %scan3A_130 : i32
        %mul3A_141 = arith.constant 16 : i32
        %mul3A_142 = arith.muli %scan3A_138, %mul3A_141 : i32
        %get3A = arith.index_cast %mul3A_140 : i32 to index
        %get3A_143 = arith.index_cast %mul3A_142 : i32 to index
        %get3A_144 = tpu.vector_load %arg7[%get3A, %get3A_143] {strides = array<i32>} : memref<32x1024xf32, #tpu.memory_space<vmem>>, vector<1x16xf32>,
        %get3A_145 = vector.shape_cast %get3A_144 : vector<1x16xf32> to vector<16xf32>
        %mul3A_146 = arith.constant 2 : i32
        %mul3A_147 = arith.muli %mul3A_146, %scan3A_130 : i32
        %add3A_148 = arith.constant 1 : i32
        %add3A_149 = arith.addi %mul3A_147, %add3A_148 : i32
        %mul3A_150 = arith.constant 16 : i32
        %mul3A_151 = arith.muli %scan3A_138, %mul3A_150 : i32
        %get3A_152 = arith.index_cast %add3A_149 : i32 to index
        %get3A_153 = arith.index_cast %mul3A_151 : i32 to index
        %get3A_154 = tpu.vector_load %arg7[%get3A_152, %get3A_153] {strides = array<i32>} : memref<32x1024xf32, #tpu.memory_space<vmem>>, vector<1x16xf32>,
        %get3A_155 = vector.shape_cast %get3A_154 : vector<1x16xf32> to vector<16xf32>
        %add3A_156 = arith.addf %get3A_145, %get3A_155 : vector<16xf32>
        %mul3A_157 = arith.constant 16 : i32
        %mul3A_158 = arith.muli %scan3A_138, %mul3A_157 : i32
        %swap3A = arith.index_cast %scan3A_130 : i32 to index
        %swap3A_159 = arith.index_cast %mul3A_158 : i32 to index
        %swap3A_160 = tpu.vector_load %arg9[%swap3A, %swap3A_159] {strides = array<i32>} : memref<16x1024xf32, #tpu.memory_space<vmem>>, vector<1x16xf32>,
        %swap3A_161 = vector.shape_cast %swap3A_160 : vector<1x16xf32> to vector<16xf32>
        %swap3A_162 = vector.shape_cast %add3A_156 : vector<16xf32> to vector<1x16xf32>
        tpu.vector_store %arg9[%swap3A, %swap3A_159], %swap3A_162 {strides = array<i32>} : memref<16x1024xf32, #tpu.memory_space<vmem>>, vector<1x16xf32>,
      }
      %scan3A_136 = arith.constant 64 : i32
      %scan3A_137 = arith.constant 0 : i32
      scf.yield %scan3A_137 : i32
    }
    %scan3A_113 = arith.constant 16 : i32
    %mul3A_114 = arith.constant 64 : i32
    %mul3A_115 = arith.muli %add3A, %mul3A_114 : i32
    %add3A_116 = arith.constant 48 : i32
    %add3A_117 = arith.addi %mul3A_115, %add3A_116 : i32
    %dma_start3A_118 = arith.constant 0 : i32
    %dma_start3A_119 = tpu.memref_slice %arg4[%add3A_117, %dma_start3A_118] : memref<2048x1024xf32, #tpu.memory_space<hbm>> -> memref<16x1024xf32, #tpu.memory_space<hbm>>
    %dma_start3A_120 = arith.constant 0 : i32
    %dma_start3A_121 = tpu.memref_slice %arg4[%add3A_117, %dma_start3A_120] : memref<2048x1024xf32, #tpu.memory_space<hbm>> -> memref<16x1024xf32, #tpu.memory_space<hbm>>
    tpu.enqueue_dma source(%arg9 : memref<16x1024xf32, #tpu.memory_space<vmem>>) target(%dma_start3A_121 : memref<16x1024xf32, #tpu.memory_space<hbm>>) target_semaphore(%arg13 : memref<!tpu.dma_semaphore, #tpu.memory_space<semaphore_mem>>)
    %dma_wait3A_122 = arith.constant 0 : i32
    %dma_wait3A_123 = tpu.memref_slice %arg4[%add3A_91, %dma_wait3A_122] : memref<2048x1024xf32, #tpu.memory_space<hbm>> -> memref<16x1024xf32, #tpu.memory_space<hbm>>
    %dma_wait3A_124 = arith.constant 0 : i32
    %dma_wait3A_125 = tpu.memref_slice %arg4[%add3A_91, %dma_wait3A_124] : memref<2048x1024xf32, #tpu.memory_space<hbm>> -> memref<16x1024xf32, #tpu.memory_space<hbm>>
    tpu.wait_dma2 semaphore(%arg12 : memref<!tpu.dma_semaphore, #tpu.memory_space<semaphore_mem>>) src(%arg8 : memref<16x1024xf32, #tpu.memory_space<vmem>>) dst(%dma_wait3A_125 : memref<16x1024xf32, #tpu.memory_space<hbm>>)
    %dma_wait3A_126 = arith.constant 0 : i32
    %dma_wait3A_127 = tpu.memref_slice %arg4[%add3A_117, %dma_wait3A_126] : memref<2048x1024xf32, #tpu.memory_space<hbm>> -> memref<16x1024xf32, #tpu.memory_space<hbm>>
    %dma_wait3A_128 = arith.constant 0 : i32
    %dma_wait3A_129 = tpu.memref_slice %arg4[%add3A_117, %dma_wait3A_128] : memref<2048x1024xf32, #tpu.memory_space<hbm>> -> memref<16x1024xf32, #tpu.memory_space<hbm>>
    tpu.wait_dma2 semaphore(%arg13 : memref<!tpu.dma_semaphore, #tpu.memory_space<semaphore_mem>>) src(%arg9 : memref<16x1024xf32, #tpu.memory_space<vmem>>) dst(%dma_wait3A_129 : memref<16x1024xf32, #tpu.memory_space<hbm>>)
    return
  }
}

module attributes {stable_mosaic.version = 14 : i64} {
  func.func @body(%arg0: i32, %arg1: memref<25xi32, #tpu.memory_space<smem>>, %arg2: memref<256x1024xf32, #tpu.memory_space<vmem>>, %arg3: memref<1x4096x1024xf32, #tpu.memory_space<vmem>>, %arg4: memref<1x1024x2048xf32, #tpu.memory_space<vmem>>, %arg5: memref<256x128xf32, #tpu.memory_space<vmem>>, %arg6: memref<256x1024xf32, #tpu.memory_space<vmem>>) attributes {dimension_semantics = [#tpu.dimension_semantics<arbitrary>], iteration_bounds = array<i64: 24>, scalar_prefetch = 1 : i64, scratch_operands = 0 : i64, tpu.core_type = #tpu.core_type<tc>, window_params = [{transform_indices = @transform_0, window_bounds = array<i64: 256, 1024>}, {transform_indices = @transform_1, window_bounds = array<i64: 1, 4096, 1024>}, {transform_indices = @transform_2, window_bounds = array<i64: 1, 1024, 2048>}, {transform_indices = @transform_3, window_bounds = array<i64: 256, 128>}, {transform_indices = @transform_4, window_bounds = array<i64: 256, 1024>}]} {
    %get3A = arith.constant 24 : index
    %get3A_0 = memref.load %arg1[%get3A] : memref<25xi32, #tpu.memory_space<smem>>
    %lt3A = arith.cmpi slt, %arg0, %get3A_0 : i32
    %convert_element_type3A = arith.extui %lt3A : i1 to i32
    %cond3A = arith.constant 0 : i32
    %cond3A_1 = arith.cmpi ne, %convert_element_type3A, %cond3A : i32
    scf.if %cond3A_1 {
      %get3A_2 = arith.constant 0 : index
      %get3A_3 = arith.constant 0 : index
      %get3A_4 = vector.load %arg2[%get3A_2, %get3A_3] : memref<256x1024xf32, #tpu.memory_space<vmem>>, vector<256x1024xf32>
      %get3A_5 = arith.constant 0 : index
      %get3A_6 = arith.constant 0 : index
      %get3A_7 = arith.constant 0 : index
      %get3A_8 = vector.load %arg3[%get3A_5, %get3A_6, %get3A_7] : memref<1x4096x1024xf32, #tpu.memory_space<vmem>>, vector<1x4096x1024xf32>
      %get3A_9 = vector.shape_cast %get3A_8 : vector<1x4096x1024xf32> to vector<4096x1024xf32>
      %dot_general3A = arith.constant dense<0.000000e+00> : vector<256x4096xf32>
      %dot_general3A_10 = tpu.matmul %get3A_4, %get3A_9, %dot_general3A {dimension_numbers = #tpu.dot_dimension_numbers<[1], [1], [0], [0], [0, 0, 1, 0], [], []>, transpose_lhs_hint = false} : vector<256x1024xf32>, vector<4096x1024xf32>, vector<256x4096xf32> -> vector<256x4096xf32>
      %slice3A = vector.extract_strided_slice %dot_general3A_10 {offsets = [0, 0], sizes = [256, 2048], strides = [1, 1]} : vector<256x4096xf32> to vector<256x2048xf32>
      %slice3A_11 = vector.extract_strided_slice %dot_general3A_10 {offsets = [0, 2048], sizes = [256, 2048], strides = [1, 1]} : vector<256x4096xf32> to vector<256x2048xf32>
      %integer_pow3A = arith.mulf %slice3A, %slice3A : vector<256x2048xf32>
      %integer_pow3A_12 = arith.mulf %slice3A, %integer_pow3A : vector<256x2048xf32>
      %mul3A = arith.constant 4.471500e-02 : f32
      %mul3A_13 = vector.broadcast %mul3A : f32 to vector<256x2048xf32>
      %mul3A_14 = arith.mulf %mul3A_13, %integer_pow3A_12 : vector<256x2048xf32>
      %add3A = arith.addf %slice3A, %mul3A_14 : vector<256x2048xf32>
      %mul3A_15 = arith.constant 0.797884583 : f32
      %mul3A_16 = vector.broadcast %mul3A_15 : f32 to vector<256x2048xf32>
      %mul3A_17 = arith.mulf %mul3A_16, %add3A : vector<256x2048xf32>
      %tanh3A = math.tanh %mul3A_17 : vector<256x2048xf32>
      %add3A_18 = arith.constant 1.000000e+00 : f32
      %add3A_19 = vector.broadcast %add3A_18 : f32 to vector<256x2048xf32>
      %add3A_20 = arith.addf %add3A_19, %tanh3A : vector<256x2048xf32>
      %mul3A_21 = arith.constant 5.000000e-01 : f32
      %mul3A_22 = vector.broadcast %mul3A_21 : f32 to vector<256x2048xf32>
      %mul3A_23 = arith.mulf %mul3A_22, %add3A_20 : vector<256x2048xf32>
      %mul3A_24 = arith.mulf %slice3A, %mul3A_23 : vector<256x2048xf32>
      %mul3A_25 = arith.mulf %mul3A_24, %slice3A_11 : vector<256x2048xf32>
      %get3A_26 = arith.constant 0 : index
      %get3A_27 = arith.constant 0 : index
      %get3A_28 = arith.constant 0 : index
      %get3A_29 = vector.load %arg4[%get3A_26, %get3A_27, %get3A_28] : memref<1x1024x2048xf32, #tpu.memory_space<vmem>>, vector<1x1024x2048xf32>
      %get3A_30 = vector.shape_cast %get3A_29 : vector<1x1024x2048xf32> to vector<1024x2048xf32>
      %dot_general3A_31 = arith.constant dense<0.000000e+00> : vector<256x1024xf32>
      %dot_general3A_32 = tpu.matmul %mul3A_25, %get3A_30, %dot_general3A_31 {dimension_numbers = #tpu.dot_dimension_numbers<[1], [1], [0], [0], [0, 0, 1, 0], [], []>, transpose_lhs_hint = false} : vector<256x2048xf32>, vector<1024x2048xf32>, vector<256x1024xf32> -> vector<256x1024xf32>
      %get3A_33 = arith.constant 0 : index
      %get3A_34 = arith.constant 0 : index
      %get3A_35 = vector.load %arg5[%get3A_33, %get3A_34] : memref<256x128xf32, #tpu.memory_space<vmem>>, vector<256x1xf32>
      %mul3A_36 = vector.broadcast %get3A_35 : vector<256x1xf32> to vector<256x1024xf32>
      %mul3A_37 = arith.mulf %dot_general3A_32, %mul3A_36 : vector<256x1024xf32>
      %swap3A = arith.constant 0 : index
      %swap3A_38 = arith.constant 0 : index
      %swap3A_39 = vector.load %arg6[%swap3A, %swap3A_38] : memref<256x1024xf32, #tpu.memory_space<vmem>>, vector<256x1024xf32>
      tpu.vector_store %arg6[%swap3A, %swap3A_38], %mul3A_37 {strides = array<i32>} : memref<256x1024xf32, #tpu.memory_space<vmem>>, vector<256x1024xf32>,
    } else {
    }
    return
  }
  func.func @transform_0(%arg0: i32, %arg1: memref<25xi32, #tpu.memory_space<smem>>) -> (i32, i32) {
    %c0_i32 = arith.constant 0 : i32
    %c0_i32_0 = arith.constant 0 : i32
    return %arg0, %c0_i32 : i32, i32
  }
  func.func @transform_1(%arg0: i32, %arg1: memref<25xi32, #tpu.memory_space<smem>>) -> (i32, i32, i32) {
    %get3A = arith.index_cast %arg0 : i32 to index
    %get3A_0 = memref.load %arg1[%get3A] : memref<25xi32, #tpu.memory_space<smem>>
    %c0_i32 = arith.constant 0 : i32
    %c0_i32_1 = arith.constant 0 : i32
    %c0_i32_2 = arith.constant 0 : i32
    return %get3A_0, %c0_i32, %c0_i32_1 : i32, i32, i32
  }
  func.func @transform_2(%arg0: i32, %arg1: memref<25xi32, #tpu.memory_space<smem>>) -> (i32, i32, i32) {
    %get3A = arith.index_cast %arg0 : i32 to index
    %get3A_0 = memref.load %arg1[%get3A] : memref<25xi32, #tpu.memory_space<smem>>
    %c0_i32 = arith.constant 0 : i32
    %c0_i32_1 = arith.constant 0 : i32
    %c0_i32_2 = arith.constant 0 : i32
    return %get3A_0, %c0_i32, %c0_i32_1 : i32, i32, i32
  }
  func.func @transform_3(%arg0: i32, %arg1: memref<25xi32, #tpu.memory_space<smem>>) -> (i32, i32) {
    %c0_i32 = arith.constant 0 : i32
    %c0_i32_0 = arith.constant 0 : i32
    return %arg0, %c0_i32 : i32, i32
  }
  func.func @transform_4(%arg0: i32, %arg1: memref<25xi32, #tpu.memory_space<smem>>) -> (i32, i32) {
    %c0_i32 = arith.constant 0 : i32
    %c0_i32_0 = arith.constant 0 : i32
    return %arg0, %c0_i32 : i32, i32
  }
}

</mosaic_0001>

<sc_bundles>
// kernel: gather_offload_async_start
scs
__scs_entry_jumppad:
0x0: {  	(pc) =	sbr.rel $0x88, $3  }
0x1: {  	(tag) =	ssettag $0x0;
	lr =	simm.s32 $0x1  }
0x2: {  	[smem:$0x3F9C] =	sst lr;
	_ =	strace $0xD0000000  }
0x3: {  	_ = 	snop  }
0x4: {  	_ = 	snop  }
0x5: {  	_ = 	snop  }
0x6: {  	_ = 	snop  }
0x7: {  	_ = 	snop  }
__scs_overlays_trampoline_lowered:
0x8: {  	[smem:$0x3FAB] =	sst s0  }
0x9: {  	[smem:$0x3FAC] =	sst s1  }
0xa: {  	[smem:$0x3FAD] =	sst s2  }
0xb: {  	[smem:$0x3FAE] =	sst s3  }
0xc: {  	[smem:$0x3FAF] =	sst s4  }
0xd: {  	[smem:$0x3FB0] =	sst s5  }
0xe: {  	[smem:$0x3FB1] =	sst s6  }
0xf: {  	[smem:$0x3FB2] =	sst s7  }
0x10: {  	[smem:$0x3FB3] =	sst s8  }
0x11: {  	[smem:$0x3FB4] =	sst s9;
	s0 =	simm.s32 @!p0 $0x0  }
0x12: {  	s1 =	sld [smem:$0x3F9A];
	s0 =	simm.s32 @p0 $0x1  }
0x13: {  	[smem:$0x3FB5] =	sst s0;
	s0 =	simm.s32 @!p1 $0x0  }
0x14: {  	s2 =	sld [smem:$0x3F99];
	s0 =	simm.s32 @p1 $0x1  }
0x15: {  	[smem:$0x3FB6] =	sst s0;
	s0 =	simm.s32 @!p2 $0x0  }
0x16: {  	s3 =	sld [smem:$0x3FDB];
	s0 =	simm.s32 @p2 $0x1  }
0x17: {  	s4 =	simm.s32 $0x1BF5;
	[smem:$0x3FB8] =	sst s0  }
0x18: {  	s0 =	sld [smem:$0x3F9B];
	_ =	swait.ge [sflag:s4], $0x0  }
0x19: {  	s7 =	sld [smem:$0x3F9C]  }
0x1a: {  	s8 =	sadd.s32 $0xFFFFE003, lr  }
0x1b: {  	s9 =	sadd.s32 $0xFFFFFEF7, lr;
	s5 =	simm.s32 $0xFFFFFFFF;
	p2 =	slt.u32 s8, $0xFFFFF086  }
0x1c: {  	p1 =	slt.u32 s9, $0xF7A;
	s5 =	simm.s32 @!p2 $0x0  }
0x1d: {  	s5 =	simm.s32 @p1 $0x1;
	p0 =	seq.s32 s7, s2  }
0x1e: {  	s7 =	smul.u32 @!p0 $0xF7A, s2;
	p2 =	seq.s32 @!p0 s5, $0x0  }
0x1f: {  	s9 =	smul.u32 $0xF7A, s1;
	s8 =	simm.s32 @!p0 $0x1BF5;
	p2 =	por !p2, p0  }
0x20: {  	[sflag:s8] =	ssyncset.s32 @!p0 $0xFFFFF086;
	s6 =	sadd.s32 @!p0 s3, s7;
	s7 =	simm.s32 @!p0 $0x108  }
0x21: {  	s3 =	sadd.s32 s3, s9;
	s6 =	sadd.s32 @!p0 $0x88, s6;
	s7 =	simm.s32 @p2 $0x1082  }
0x22: {  	[simem:s7], [sflag:s8] =	dma.local @!p0 [hbm:s6], $0xF7A  }
0x23: {  	s9 =	sor.u32 $0xD0000000, s2;
	s6 =	simm.s32 $0x108;
	_ =	swait.ge @!p0 [sflag:s8], $0x0  }
0x24: {  	s3 =	sadd.s32 $0x88, s3;
	s6 =	simm.s32 @!p1 $0x1082;
	[sflag:s4] =	ssyncset.s32 $0xFFFFF086  }
0x25: {  	[simem:s6], [sflag:s4] =	dma.local [hbm:s3], $0xF7A  }
0x26: {  	[smem:$0x3F9C] =	sst s1;
	(tag) =	ssettag s2;
	_ =	strace s9  }
0x27: {  	s1 =	sld [smem:$0x3FAC]  }
0x28: {  	s2 =	sld [smem:$0x3FAD]  }
0x29: {  	s4 =	sld [smem:$0x3FAF]  }
0x2a: {  	p0 =	seq.s32 s5, $0x0;
	s5 =	sld [smem:$0x3FB0]  }
0x2b: {  	s6 =	sld [smem:$0x3FB1]  }
0x2c: {  	s7 =	sld [smem:$0x3FB2]  }
0x2d: {  	s3 =	simm.s32 $0x108;
	s8 =	sld [smem:$0x3FB3]  }
0x2e: {  	s3 =	simm.s32 @!p0 $0x1082;
	s9 =	sld [smem:$0x3FB4]  }
0x2f: {  	lr =	sadd.s32 s0, s3;
	s0 =	sld [smem:$0x3FAB]  }
0x30: {  	s3 =	sld [smem:$0x3FAE]  }
0x31: {  	[smem:$0x3FB7] =	sst s10  }
0x32: {  	s10 =	sld [smem:$0x3FB5];
	_ =	sdelay $0x3  }
0x33: {  	p0 =	seq.s32 s10, $0x1;
	s10 =	sld [smem:$0x3FB7];
	_ =	sdelay $0x3  }
0x34: {  	[smem:$0x3FB7] =	sst s10  }
0x35: {  	s10 =	sld [smem:$0x3FB6];
	_ =	sdelay $0x3  }
0x36: {  	p1 =	seq.s32 s10, $0x1;
	s10 =	sld [smem:$0x3FB7];
	_ =	sdelay $0x3  }
0x37: {  	[smem:$0x3FB7] =	sst s10  }
0x38: {  	s10 =	sld [smem:$0x3FB8]  }
0x39: {  	_ = 	snop;
	(pc) =	sbr.ind lr, $3  }
0x3a: {  	_ = 	snop  }
0x3b: {  	_ = 	snop  }
0x3c: {  	p2 =	seq.s32 s10, $0x1;
	s10 =	sld [smem:$0x3FB7]  }
0x3d: {  	_ =	shalt  }
0x3e: {  	_ =	shalt  }
0x3f: {  	_ =	shalt  }
0x40: {  	_ =	shalt  }
0x41: {  	_ =	shalt  }
0x42: {  	_ =	shalt  }
0x43: {  	_ =	shalt  }
0x44: {  	_ =	shalt  }
0x45: {  	_ =	shalt  }
0x46: {  	_ =	shalt  }
0x47: {  	_ =	shalt  }
0x48: {  	_ =	shalt  }
0x49: {  	_ =	shalt  }
0x4a: {  	_ =	shalt  }
0x4b: {  	_ =	shalt  }
0x4c: {  	_ =	shalt  }
0x4d: {  	_ =	shalt  }
0x4e: {  	_ =	shalt  }
0x4f: {  	_ =	shalt  }
0x50: {  	_ =	shalt  }
0x51: {  	_ =	shalt  }
0x52: {  	_ =	shalt  }
0x53: {  	_ =	shalt  }
0x54: {  	_ =	shalt  }
0x55: {  	_ =	shalt  }
0x56: {  	_ =	shalt  }
0x57: {  	_ =	shalt  }
0x58: {  	_ =	shalt  }
0x59: {  	_ =	shalt  }
0x5a: {  	_ =	shalt  }
0x5b: {  	_ =	shalt  }
0x5c: {  	_ =	shalt  }
0x5d: {  	_ =	shalt  }
0x5e: {  	_ =	shalt  }
0x5f: {  	_ =	shalt  }
0x60: {  	_ =	shalt  }
0x61: {  	_ =	shalt  }
0x62: {  	_ =	shalt  }
0x63: {  	_ =	shalt  }
0x64: {  	_ =	shalt  }
0x65: {  	_ =	shalt  }
0x66: {  	_ =	shalt  }
0x67: {  	_ =	shalt  }
0x68: {  	_ =	shalt  }
0x69: {  	_ =	shalt  }
0x6a: {  	_ =	shalt  }
0x6b: {  	_ =	shalt  }
0x6c: {  	_ =	shalt  }
0x6d: {  	_ =	shalt  }
0x6e: {  	_ =	shalt  }
0x6f: {  	_ =	shalt  }
0x70: {  	_ =	shalt  }
0x71: {  	_ =	shalt  }
0x72: {  	_ =	shalt  }
0x73: {  	_ =	shalt  }
0x74: {  	_ =	shalt  }
0x75: {  	_ =	shalt  }
0x76: {  	_ =	shalt  }
0x77: {  	_ =	shalt  }
0x78: {  	_ =	shalt  }
0x79: {  	_ =	shalt  }
0x7a: {  	_ =	shalt  }
0x7b: {  	_ =	shalt  }
0x7c: {  	_ =	shalt  }
0x7d: {  	_ =	shalt  }
0x7e: {  	_ =	shalt  }
0x7f: {  	_ =	shalt  }
0x80: {  	_ =	shalt  }
0x81: {  	_ =	shalt  }
0x82: {  	_ =	shalt  }
0x83: {  	_ =	shalt  }
0x84: {  	_ =	shalt  }
0x85: {  	_ =	shalt  }
0x86: {  	_ =	shalt  }
0x87: {  	_ =	shalt  }
.Lfunc_end0:
.L_simem_size_0:
called_computation_lowered:
.L_overlay_start_0:
0x88: {  	s2 =	sld [smem:$0x3FD9]  }
0x89: {  	s3 =	sld [smem:$0x3FFE];
	_ =	sdelay $0x1  }
0x8a: {  	s1 =	srdreg.scid  }
0x8b: {  	s0 =	sand.u32 $0x1, s1  }
0x8c: {  	s17 =	sshll.u32 s0, $0xA;
	s2 =	sadd.s32 s3, s2  }
0x8d: {  	s2 =	sadd.s32 s2, s17  }
0x8e: {  	[smem:$0x3FC3] =	sst s2  }
0x8f: {  	_ = 	snop  }
0x90: {  	s2 =	sld [smem:$0x3FD0];
	(tm) =	ssettm $0x1  }
0x91: {  	s18 =	sld [smem:$0x3FFB];
	_ =	sdelay $0x3  }
0x92: {  	_ =	strace s18  }
0x93: {  	s3 =	sld [smem:$0x3FFC];
	_ =	sdelay $0x3  }
0x94: {  	_ =	strace s3  }
0x95: {  	s3 =	sld [smem:$0x3FFD];
	_ =	sdelay $0x3  }
0x96: {  	_ =	strace s3  }
0x97: {  	_ =	strace $0x8FFFFFFF  }
0x98: {  	s19 =	sld [smem:$0x3FDB];
	_ =	sdelay $0x1  }
0x99: {  	s4 =	simm.s32 $_scs_section_size  }
0x9a: {  	s5 =	simm.s32 $_size__tile_overlayer_lowered;
	s6 =	simm.s32 $_tile_overlayer_lowered  }
0x9b: {  	s22 =	simm.s32 $0x1BFF;
	s21 =	sshll.u32 s6, $0x1;
	s3 =	sadd.s32 s4, s19  }
0x9c: {  	s7 =	simm.s32 $0x0;
	s20 =	sshll.u32 s5, $0x1;
	s5 =	sadd.s32 s21, s3  }
0x9d: {  	[timem:s7], [sflag:s22] =	dma.local [hbm:s5], s20  }
0x9e: {  	_ =	swait.ge [sflag:s22], s20  }
0x9f: {  	s4 =	ssub.s32 $0x0, s20;
	[sflag:s22] =	ssyncset.done $0x0  }
0xa0: {  	[sflag:s22] =	ssyncadd.s32 s4;
	_ =	sdelay $0x1  }
0xa1: {  	s23 =	simm.s32 $0x1B8B  }
0xa2: {  	_ =	swait.ge [sflag:s23], $0x1  }
0xa3: {  	[sflag:s23] =	ssyncset.done $0x0  }
0xa4: {  	s25 =	simm.s32 $0x1B8E;
	s24 =	sld [smem:$0x3FFE];
	[sflag:s23] =	ssyncadd.s32 $0xFFFFFFFF  }
0xa5: {  	s26 =	simm.s32 $execute0_lowered;
	[smem:$0x3FD2] =	sst s25  }
0xa6: {  	s5 =	sshll.u32 s26, $0x1;
	_ =	strace $0x80000046;
	[dreg:$0x1] =	wrdreg $0xFFFFFFFF  }
0xa7: {  	s28 =	simm.s32 $_size_execute0_lowered;
	s3 =	sadd.s32 s3, s5;
	[dreg:$0x0] =	wrdreg $0x0  }
0xa8: {  	s5 =	sshll.u32 s28, $0x1;
	[dreg:$0x2] =	wrdreg s3  }
0xa9: {  	[dreg:$0x3] =	wrdreg s5  }
0xaa: {  	[dreg:$0x4] =	wrdreg $0xC0  }
0xab: {  	_ =	task [dreg:s7], $0x5FFFF  }
0xac: {  	[dreg:$0x1] =	wrdreg $0xFFFFFFFF  }
0xad: {  	[dreg:$0x0] =	wrdreg $0x60  }
0xae: {  	[dreg:$0x2] =	wrdreg s2  }
0xaf: {  	[dreg:$0x3] =	wrdreg s24  }
0xb0: {  	[dreg:$0x4] =	wrdreg $0x9  }
0xb1: {  	_ =	task.clear_ibuf [dreg:s7], $0x5FFFF;
	_ =	strace $0x90000046  }
0xb2: {  	s29 =	simm.s32 $0x9;
	_ =	strace $0x80000048  }
0xb3: {  	_ =	swait.ge [sflag:s29], $0x1  }
0xb4: {  	[sflag:s29] =	ssyncadd.s32 $0xFFFFFFFF  }
0xb5: {  	_ =	strace $0x90000048  }
0xb6: {  	_ =	sfence  }
0xb7: {  	s30 =	sld [smem:$0x0];
	_ =	sdelay $0x2  }
0xb8: {  	s31 =	sshll.u32 s1, $0xD;
	s1 =	sshrl.u32 s1, $0x2  }
0xb9: {  	s3 =	sand.u32 $0x4000, s31;
	s1 =	sadd.s32 s1, s30  }
0xba: {  	s0 =	sor.u32 s3, s0;
	s1 =	sshll.u32 s1, $0x11  }
0xbb: {  	s0 =	sor.u32 s1, s0  }
0xbc: {  	s0 =	sadd.s32 $0x8F2B, s0  }
0xbd: {  	[sflag:s0] =	ssyncadd.remote.s32 $0x1  }
0xbe: {  	_ =	sfence.sel $0xFFFF  }
0xbf: {  	[dreg:$0x0] =	wrdreg $0xFFFFFFFF;
	(pc) =	sbr.abs _section_cstart, $3  }
0xc0: {  	[dreg:$0x1] =	wrdreg $0xFFFFFFFF  }
0xc1: {  	_ =	task.clear_ibuf [dreg:s7], $0x2FFFF;
	_ =	strace $0x9FFFFFFF  }
0xc2: {  	(tm) =	ssettm $0x7FFFFFFF  }
0xc3: {  	_ =	shalt  }
tec
execute0_lowered:
.L_overlay_start_1:
0x0: {  	(tag) =	ssettag $0x1  }
0x1: {  	s1 =	srdreg.scid;
	s2 =	rddreg [dreg:$0x0]  }
0x2: {  	s0 =	stileid.u32;
	s3 =	rddreg [dreg:$0x1]  }
0x3: {  	s6 =	simm.s32 $0x1;
	s9 =	simm.s32 $0x1;
	s1 =	sshll.u32 s1, $0x6  }
0x4: {  	s10 =	simm.s32 $0x3;
	s4 =	sshll.u32 s0, $0x7;
	s5 =	sand.u32 $0x40, s1  }
0x5: {  	s13 =	simm.s32 $0x0;
	s12 =	simm.s32 $0x0;
	s4 =	sor.u32 s4, s5  }
0x6: {  	s1 =	rddreg [dreg:$0x2];
	_ =	strace $0x80000047;
	s8 =	ssub.s32 $0x1000, s4  }
.Ltmp0:
0x7: {  	s5 =	sadd.s32 $0x1200, s3;
	s7 =	sand.u32 $0x7C0, s8;
	(pc) =	sbr.rel .LBB2_1-.Ltmp0, $4  }
0x8: {  	[sflag:s6] =	ssyncpa.u1 $0x0;
	s11 =	smov.u32 s4;
	p0 =	sne.s32 s7, $0x0  }
0x9: {  	s8 =	sshrl.u32 s8, $0xB;
	s7 =	simm.s32 $0x2;
	s9 =	simm.s32 @!p0 $0x0  }
0xa: {  	[sflag:s7] =	ssyncpa.u1 $0x0;
	p0 =	por $0x0, $0x0;
	s8 =	sadd.s32 s9, s8  }
0xb: {  	vm0 =	vmmov $0xffff;
	[sflag:s10] =	ssyncpa.u1 $0x0;
	s10 =	simm.s32 $0x0;
	s9 =	sadd.s32 $0x1, s8  }
.LBB2_4:
0xc: {  	v5 =	vshrl.u32 v1, $0xC;
	v6 =	vshll.u32 v1, $0x7  }
0xd: {  	vm1 =	veq.s32 v1, $0x80000000;
	v58 =	vand.u32 $0x7, v5;
	v59 =	vand.u32 $0x7FF80, v6  }
0xe: {  	v1 =	vsel vm1, $0xFFFFFFFF, v58;
	v5 =	vsel vm1, $0xFFFFFF80, v59  }
0xf: {  	v3 =	vor.u32 v4, v3;
	v60 =	vand.u32 $0xFFFFFC00, v5;
	v61 =	vand.u32 $0xFFFFFC00, v1  }
0x10: {  	v2 =	vor.u32 v2, v3;
	v63 =	vand.u32 $0x380, v5;
	v62 =	vadd.s32 v61, v60  }
0x11: {  	v1 =	vand.u32 $0x7F, v1;
	v3 =	vor.u32 v63, v62  }
0x12: {  	v1 =	vor.u32 v1, v3  }
0x13: {  	[tilespmem:s15], [sflag:$0x1] =	stream.indirect_vreg.gather [hbm4b:s2+s10], $0x1, v0, vm0, $0x4038;
	[tilespmem:$0x100] =	vst v63  }
0x14: {  	(ifvalue) =	ssetifvalue $0x7FFFFFFF  }
0x15: {  	[tilespmem:s16], [sflag:$0x1] =	stream.indirect_vreg.gather [hbm4b:s2+s10], $0x1, v2, vm0, $0x4038;
	[tilespmem:$0x100] =	vst v63  }
0x16: {  	s29 =	sadd.s32 $0x10, s16;
	(ifvalue) =	ssetifvalue $0x7FFFFFFF  }
0x17: {  	[tilespmem:s29], [sflag:$0x1] =	stream.indirect_vreg.gather [hbm4b:s2+s10], $0x1, v1, vm0, $0x4038;
	[tilespmem:$0x100] =	vst v63  }
0x18: {  	_ =	swait.ge [sflag:s6], $0x40  }
0x19: {  	s30 =	sshrl.u32 s13, $0x3;
	[sflag:s6] =	ssyncset.done $0x0  }
0x1a: {  	s31 =	sand.u32 $0x7, s13;
	s15 =	sadd.s32 s5, s30;
	[sflag:s6] =	ssyncadd.s32 $0xFFFFFFC0  }
0x1b: {  	[hbm4b:s15+s31] =	stream.linear.scatter [tilespmem:s14], [sflag:$0x3], $0x40, $0x38;
	[tilespmem:$0x100] =	vst v63  }
.LBB2_5:
0x1c: {  	s15 =	sadd.s32 $0x800, s11  }
0x1d: {  	p2 =	sgt.s32 s15, $0xFFF  }
0x1e: {  	s15 =	smov.u32 @p2 s4;
	p2 =	sne.s32 s12, s9  }
.Ltmp1:
0x1f: {  	p1 =	slt.u32 s12, $0x2;
	(pc) =	sbr.rel @!p2 .LBB2_6-.Ltmp1, $4  }
0x20: {  	s14 =	simm.s32 @!p1 $0x3  }
0x21: {  	s16 =	sadd.s32 $0x1, s12;
	_ =	swait.ge @!p1 [sflag:s14], $0x40  }
0x22: {  	s13 =	smov.u32 s11;
	p0 =	por !p0, !p0;
	[sflag:s14] =	ssyncset.done @!p1 $0x0  }
0x23: {  	s12 =	smov.u32 s16;
	s11 =	smov.u32 s15;
	[sflag:s14] =	ssyncadd.s32 @!p1 $0xFFFFFFC0  }
.LBB2_1:
0x24: {  	p1 =	sge.u32 s12, s8  }
0x25: {  	s14 =	sxor.u32 @!p1 $0xFFFFFFFF, s12  }
0x26: {  	s31 =	sadd.s32 $0xFFFFFFFF, s12;
	s15 =	sshrl.u32 @!p1 s11, $0x3;
	s14 =	sshll.u32 @!p1 s14, $0x6  }
0x27: {  	s16 =	sand.u32 @!p1 $0x7, s11;
	s15 =	sadd.s32 @!p1 s3, s15;
	s14 =	sand.u32 @!p1 $0x40, s14  }
0x28: {  	[tilespmem:s14], [sflag:$0x2] =	stream.linear.gather @!p1 [hbm4b:s15+s16], $0x40, $0x38;
	[tilespmem:$0x100] =	vst v63  }
0x29: {  	p1 =	sge.u32 s31, s8  }
.Ltmp2:
0x2a: {  	_ = 	snop;
	(pc) =	sbr.rel @p1 .LBB2_5-.Ltmp2, $1  }
0x2b: {  	_ =	sdelay $0x3  }
0x2c: {  	s14 =	simm.s32 $0x1  }
0x2d: {  	_ =	swait.ge [sflag:s7], $0x40;
	s14 =	simm.s32 @!p0 $0x0  }
0x2e: {  	[sflag:s7] =	ssyncset.done $0x0;
	s14 =	sshll.u32 s14, $0x6  }
0x2f: {  	[sflag:s7] =	ssyncadd.s32 $0xFFFFFFC0;
	(ifvalue) =	ssetifvalue $0x7FFFFFFF;
	v0 =	vld.msk [tilespmem:s14+$0x0 ss:$0x1], $0xffff;
	_ =	sdelay $0x4  }
0x30: {  	s15 =	sadd.s32 $0x10, s14;
	v2 =	vshrl.u32 v0, $0xC;
	v3 =	vshll.u32 v0, $0x7  }
0x31: {  	v1 =	vld.msk [tilespmem:s15+$0x0 ss:$0x1], $0xffff;
	vm1 =	veq.s32 v0, $0x80000000;
	v0 =	vand.u32 $0x7, v2;
	v2 =	vand.u32 $0x7FF80, v3  }
0x32: {  	v0 =	vsel vm1, $0xFFFFFFFF, v0;
	v2 =	vsel vm1, $0xFFFFFF80, v2  }
0x33: {  	v3 =	vand.u32 $0xFFFFFC00, v2;
	v4 =	vand.u32 $0xFFFFFC00, v0  }
0x34: {  	v2 =	vand.u32 $0x380, v2;
	v3 =	vadd.s32 v4, v3  }
0x35: {  	v0 =	vand.u32 $0x7F, v0;
	v2 =	vor.u32 v2, v3  }
0x36: {  	v5 =	vshll.u32 v1, $0x7;
	v4 =	vshrl.u32 v1, $0xC;
	v0 =	vor.u32 v0, v2  }
0x37: {  	s16 =	sshll.u32 s12, $0x6;
	vm1 =	veq.s32 v1, $0x80000000;
	v1 =	vand.u32 $0x7, v4;
	v4 =	vand.u32 $0x7FF80, v5  }
0x38: {  	s16 =	sand.u32 $0x40, s16;
	s18 =	sadd.s32 $0x10, s15;
	v3 =	vsel vm1, $0xFFFFFFFF, v1;
	v4 =	vsel vm1, $0xFFFFFF80, v4  }
0x39: {  	s17 =	simm.s32 $0x20;
	s15 =	sor.u32 $0x80, s14;
	s14 =	sor.u32 $0x80, s16;
	v1 =	vld.msk [tilespmem:s18+$0x0 ss:$0x1], $0xffff;
	v5 =	vand.u32 $0xFFFFFC00, v4;
	v6 =	vand.u32 $0xFFFFFC00, v3  }
0x3a: {  	s16 =	sadd.s32 $0x10, s15;
	s18 =	sadd.s32 $0x10, s18;
	(ifvalue) =	ssetifvalue $0x7FFFFFFF;
	v2 =	vand.u32 $0x7F, v3;
	v4 =	vand.u32 $0x380, v4;
	v3 =	vadd.s32 v6, v5  }
.LBB2_3:
0x3b: {  	[tilespmem:s15], [sflag:$0x1] =	stream.indirect_vreg.gather [hbm4b:s2+s10], $0x1, v0, vm0, $0x4038;
	[tilespmem:$0x100] =	vst v63  }
0x3c: {  	s17 =	sadd.s32 $0x10, s17  }
0x3d: {  	v3 =	vor.u32 v4, v3;
	p1 =	slt.u32 s17, $0x30  }
.Ltmp3:
0x3e: {  	v4 =	vshrl.u32 v1, $0xC;
	v5 =	vshll.u32 v1, $0x7;
	s15 =	smov.u32 s16;
	v0 =	vor.u32 v2, v3;
	v2 =	vmovc v1;
	v1 =	vld.msk [tilespmem:s18+$0x0 ss:$0x1], $0xffff;
	(pc) =	sbr.rel @p1 .LBB2_3-.Ltmp3, $4  }
0x3f: {  	v3 =	vand.u32 $0x7FF80, v5;
	vm1 =	veq.s32 v2, $0x80000000;
	v2 =	vand.u32 $0x7, v4  }
0x40: {  	v4 =	vsel vm1, $0xFFFFFFFF, v2;
	v5 =	vsel vm1, $0xFFFFFF80, v3  }
0x41: {  	v2 =	vand.u32 $0x7F, v4;
	v3 =	vand.u32 $0xFFFFFC00, v5;
	v4 =	vand.u32 $0xFFFFFC00, v4  }
0x42: {  	s16 =	sadd.s32 $0x10, s16;
	s18 =	sadd.s32 $0x10, s18;
	v3 =	vadd.s32 v4, v3;
	v4 =	vand.u32 $0x380, v5;
	(ifvalue) =	ssetifvalue $0x7FFFFFFF  }
.Ltmp4:
0x43: {  	_ = 	snop;
	(pc) =	sbr.rel .LBB2_4-.Ltmp4, $1  }
0x44: {  	_ =	sdelay $0x3  }
.LBB2_6:
0x45: {  	_ =	sfence.sel $0x180000  }
0x46: {  	s2 =	simm.s32 $0x2;
	[bflag:$0x0] =	sbarrier.arrive $0xFFFF  }
0x47: {  	s30 =	simm.s32 $0x3;
	[sflag:s2] =	ssyncpa.u1 $0x1  }
0x48: {  	s31 =	simm.s32 $0x1;
	[sflag:s30] =	ssyncpa.u1 $0x1  }
0x49: {  	[sflag:s31] =	ssyncpa.u1 $0x1  }
0x4a: {  	p0 =	sne.s32 s0, $0x0;
	_ =	strace $0x90000047  }
0x4b: {  	s0 =	sadd.s32 @!p0 $0x100000, s1;
	[bflag:$0x2] =	sbarrier.arrive $0xFFFF  }
0x4c: {  	[sflag:s0] =	ssyncadd.tile.s32 @!p0 $0x1;
	_ =	shalt  }
.Lfunc_end2:
_tile_overlayer_lowered:
.L_overlay_start_2:
0x4d: {  	(tag) =	ssettag $0x2  }
0x4e: {  	s0 =	rddreg [dreg:$0x0];
	s2 =	stileid.u32  }
0x4f: {  	s1 =	rddreg [dreg:$0x1];
	p0 =	sne.s32 s2, $0x0  }
0x50: {  	s3 =	rddreg [dreg:$0x2];
	[bflag:$0x3] =	sbarrier.arrive $0xFFFF;
	s2 =	simm.s32 @!p0 $0x1C01  }
0x51: {  	[timem:s3], [sflag:s2] =	dma.local @!p0 [hbm:s0], s1  }
0x52: {  	s0 =	simm.s32 @!p0 $0x1  }
0x53: {  	_ =	swait.ge @!p0 [sflag:s0], s1  }
0x54: {  	s1 =	ssub.s32 @!p0 $0x0, s1;
	[sflag:s0] =	ssyncset.done @!p0 $0x0  }
0x55: {  	[sflag:s0] =	ssyncadd.s32 @!p0 s1  }
0x56: {  	[bflag:$0x3] =	sbarrier.arrive $0xFFFF  }
0x57: {  	_ =	shalt  }

// kernel: kernel.5.cloned.1.call-start
scs
__scs_entry_jumppad:
0x0: {  	(pc) =	sbr.rel $0x88, $3  }
0x1: {  	(tag) =	ssettag $0x0;
	lr =	simm.s32 $0x1  }
0x2: {  	[smem:$0x3F9C] =	sst lr;
	_ =	strace $0xD0000000  }
0x3: {  	_ = 	snop  }
0x4: {  	_ = 	snop  }
0x5: {  	_ = 	snop  }
0x6: {  	_ = 	snop  }
0x7: {  	_ = 	snop  }
__scs_overlays_trampoline_lowered:
0x8: {  	[smem:$0x3FAB] =	sst s0  }
0x9: {  	[smem:$0x3FAC] =	sst s1  }
0xa: {  	[smem:$0x3FAD] =	sst s2  }
0xb: {  	[smem:$0x3FAE] =	sst s3  }
0xc: {  	[smem:$0x3FAF] =	sst s4  }
0xd: {  	[smem:$0x3FB0] =	sst s5  }
0xe: {  	[smem:$0x3FB1] =	sst s6  }
0xf: {  	[smem:$0x3FB2] =	sst s7  }
0x10: {  	[smem:$0x3FB3] =	sst s8  }
0x11: {  	[smem:$0x3FB4] =	sst s9;
	s0 =	simm.s32 @!p0 $0x0  }
0x12: {  	s1 =	sld [smem:$0x3F9A];
	s0 =	simm.s32 @p0 $0x1  }
0x13: {  	[smem:$0x3FB5] =	sst s0;
	s0 =	simm.s32 @!p1 $0x0  }
0x14: {  	s2 =	sld [smem:$0x3F99];
	s0 =	simm.s32 @p1 $0x1  }
0x15: {  	[smem:$0x3FB6] =	sst s0;
	s0 =	simm.s32 @!p2 $0x0  }
0x16: {  	s3 =	sld [smem:$0x3FDB];
	s0 =	simm.s32 @p2 $0x1  }
0x17: {  	s4 =	simm.s32 $0x1BF5;
	[smem:$0x3FB8] =	sst s0  }
0x18: {  	s0 =	sld [smem:$0x3F9B];
	_ =	swait.ge [sflag:s4], $0x0  }
0x19: {  	s7 =	sld [smem:$0x3F9C]  }
0x1a: {  	s8 =	sadd.s32 $0xFFFFE003, lr  }
0x1b: {  	s9 =	sadd.s32 $0xFFFFFEF7, lr;
	s5 =	simm.s32 $0xFFFFFFFF;
	p2 =	slt.u32 s8, $0xFFFFF086  }
0x1c: {  	p1 =	slt.u32 s9, $0xF7A;
	s5 =	simm.s32 @!p2 $0x0  }
0x1d: {  	s5 =	simm.s32 @p1 $0x1;
	p0 =	seq.s32 s7, s2  }
0x1e: {  	s7 =	smul.u32 @!p0 $0xF7A, s2;
	p2 =	seq.s32 @!p0 s5, $0x0  }
0x1f: {  	s9 =	smul.u32 $0xF7A, s1;
	s8 =	simm.s32 @!p0 $0x1BF5;
	p2 =	por !p2, p0  }
0x20: {  	[sflag:s8] =	ssyncset.s32 @!p0 $0xFFFFF086;
	s6 =	sadd.s32 @!p0 s3, s7;
	s7 =	simm.s32 @!p0 $0x108  }
0x21: {  	s3 =	sadd.s32 s3, s9;
	s6 =	sadd.s32 @!p0 $0x88, s6;
	s7 =	simm.s32 @p2 $0x1082  }
0x22: {  	[simem:s7], [sflag:s8] =	dma.local @!p0 [hbm:s6], $0xF7A  }
0x23: {  	s9 =	sor.u32 $0xD0000000, s2;
	s6 =	simm.s32 $0x108;
	_ =	swait.ge @!p0 [sflag:s8], $0x0  }
0x24: {  	s3 =	sadd.s32 $0x88, s3;
	s6 =	simm.s32 @!p1 $0x1082;
	[sflag:s4] =	ssyncset.s32 $0xFFFFF086  }
0x25: {  	[simem:s6], [sflag:s4] =	dma.local [hbm:s3], $0xF7A  }
0x26: {  	[smem:$0x3F9C] =	sst s1;
	(tag) =	ssettag s2;
	_ =	strace s9  }
0x27: {  	s1 =	sld [smem:$0x3FAC]  }
0x28: {  	s2 =	sld [smem:$0x3FAD]  }
0x29: {  	s4 =	sld [smem:$0x3FAF]  }
0x2a: {  	p0 =	seq.s32 s5, $0x0;
	s5 =	sld [smem:$0x3FB0]  }
0x2b: {  	s6 =	sld [smem:$0x3FB1]  }
0x2c: {  	s7 =	sld [smem:$0x3FB2]  }
0x2d: {  	s3 =	simm.s32 $0x108;
	s8 =	sld [smem:$0x3FB3]  }
0x2e: {  	s3 =	simm.s32 @!p0 $0x1082;
	s9 =	sld [smem:$0x3FB4]  }
0x2f: {  	lr =	sadd.s32 s0, s3;
	s0 =	sld [smem:$0x3FAB]  }
0x30: {  	s3 =	sld [smem:$0x3FAE]  }
0x31: {  	[smem:$0x3FB7] =	sst s10  }
0x32: {  	s10 =	sld [smem:$0x3FB5];
	_ =	sdelay $0x3  }
0x33: {  	p0 =	seq.s32 s10, $0x1;
	s10 =	sld [smem:$0x3FB7];
	_ =	sdelay $0x3  }
0x34: {  	[smem:$0x3FB7] =	sst s10  }
0x35: {  	s10 =	sld [smem:$0x3FB6];
	_ =	sdelay $0x3  }
0x36: {  	p1 =	seq.s32 s10, $0x1;
	s10 =	sld [smem:$0x3FB7];
	_ =	sdelay $0x3  }
0x37: {  	[smem:$0x3FB7] =	sst s10  }
0x38: {  	s10 =	sld [smem:$0x3FB8]  }
0x39: {  	_ = 	snop;
	(pc) =	sbr.ind lr, $3  }
0x3a: {  	_ = 	snop  }
0x3b: {  	_ = 	snop  }
0x3c: {  	p2 =	seq.s32 s10, $0x1;
	s10 =	sld [smem:$0x3FB7]  }
0x3d: {  	_ =	shalt  }
0x3e: {  	_ =	shalt  }
0x3f: {  	_ =	shalt  }
0x40: {  	_ =	shalt  }
0x41: {  	_ =	shalt  }
0x42: {  	_ =	shalt  }
0x43: {  	_ =	shalt  }
0x44: {  	_ =	shalt  }
0x45: {  	_ =	shalt  }
0x46: {  	_ =	shalt  }
0x47: {  	_ =	shalt  }
0x48: {  	_ =	shalt  }
0x49: {  	_ =	shalt  }
0x4a: {  	_ =	shalt  }
0x4b: {  	_ =	shalt  }
0x4c: {  	_ =	shalt  }
0x4d: {  	_ =	shalt  }
0x4e: {  	_ =	shalt  }
0x4f: {  	_ =	shalt  }
0x50: {  	_ =	shalt  }
0x51: {  	_ =	shalt  }
0x52: {  	_ =	shalt  }
0x53: {  	_ =	shalt  }
0x54: {  	_ =	shalt  }
0x55: {  	_ =	shalt  }
0x56: {  	_ =	shalt  }
0x57: {  	_ =	shalt  }
0x58: {  	_ =	shalt  }
0x59: {  	_ =	shalt  }
0x5a: {  	_ =	shalt  }
0x5b: {  	_ =	shalt  }
0x5c: {  	_ =	shalt  }
0x5d: {  	_ =	shalt  }
0x5e: {  	_ =	shalt  }
0x5f: {  	_ =	shalt  }
0x60: {  	_ =	shalt  }
0x61: {  	_ =	shalt  }
0x62: {  	_ =	shalt  }
0x63: {  	_ =	shalt  }
0x64: {  	_ =	shalt  }
0x65: {  	_ =	shalt  }
0x66: {  	_ =	shalt  }
0x67: {  	_ =	shalt  }
0x68: {  	_ =	shalt  }
0x69: {  	_ =	shalt  }
0x6a: {  	_ =	shalt  }
0x6b: {  	_ =	shalt  }
0x6c: {  	_ =	shalt  }
0x6d: {  	_ =	shalt  }
0x6e: {  	_ =	shalt  }
0x6f: {  	_ =	shalt  }
0x70: {  	_ =	shalt  }
0x71: {  	_ =	shalt  }
0x72: {  	_ =	shalt  }
0x73: {  	_ =	shalt  }
0x74: {  	_ =	shalt  }
0x75: {  	_ =	shalt  }
0x76: {  	_ =	shalt  }
0x77: {  	_ =	shalt  }
0x78: {  	_ =	shalt  }
0x79: {  	_ =	shalt  }
0x7a: {  	_ =	shalt  }
0x7b: {  	_ =	shalt  }
0x7c: {  	_ =	shalt  }
0x7d: {  	_ =	shalt  }
0x7e: {  	_ =	shalt  }
0x7f: {  	_ =	shalt  }
0x80: {  	_ =	shalt  }
0x81: {  	_ =	shalt  }
0x82: {  	_ =	shalt  }
0x83: {  	_ =	shalt  }
0x84: {  	_ =	shalt  }
0x85: {  	_ =	shalt  }
0x86: {  	_ =	shalt  }
0x87: {  	_ =	shalt  }
.Lfunc_end0:
.L_simem_size_0:
called_computation.1_lowered:
.L_overlay_start_0:
0x88: {  	s2 =	sld [smem:$0x3FD9]  }
0x89: {  	s3 =	sld [smem:$0x3FFE];
	_ =	sdelay $0x1  }
0x8a: {  	s1 =	srdreg.scid  }
0x8b: {  	s0 =	sand.u32 $0x1, s1  }
0x8c: {  	s17 =	sshll.u32 s0, $0xA;
	s2 =	sadd.s32 s3, s2  }
0x8d: {  	s2 =	sadd.s32 s2, s17  }
0x8e: {  	[smem:$0x3FC3] =	sst s2  }
0x8f: {  	_ = 	snop  }
0x90: {  	s2 =	sld [smem:$0x3FC9]  }
0x91: {  	s18 =	sld [smem:$0x3FD0];
	(tm) =	ssettm $0x1  }
0x92: {  	s4 =	sld [smem:$0x3FFB];
	_ =	sdelay $0x3  }
0x93: {  	_ =	strace s4  }
0x94: {  	s4 =	sld [smem:$0x3FFC];
	_ =	sdelay $0x3  }
0x95: {  	_ =	strace s4  }
0x96: {  	s4 =	sld [smem:$0x3FFD];
	_ =	sdelay $0x3  }
0x97: {  	_ =	strace s4  }
0x98: {  	_ =	strace $0x8FFFFFFF  }
0x99: {  	s19 =	sld [smem:$0x3FDB];
	_ =	sdelay $0x1  }
0x9a: {  	s5 =	simm.s32 $_scs_section_size  }
0x9b: {  	s6 =	simm.s32 $_size__tile_overlayer_lowered;
	s7 =	simm.s32 $_tile_overlayer_lowered  }
0x9c: {  	s22 =	simm.s32 $0x1BFF;
	s21 =	sshll.u32 s7, $0x1;
	s4 =	sadd.s32 s5, s19  }
0x9d: {  	s8 =	simm.s32 $0x0;
	s20 =	sshll.u32 s6, $0x1;
	s6 =	sadd.s32 s21, s4  }
0x9e: {  	[timem:s8], [sflag:s22] =	dma.local [hbm:s6], s20  }
0x9f: {  	_ =	swait.ge [sflag:s22], s20  }
0xa0: {  	s5 =	ssub.s32 $0x0, s20;
	[sflag:s22] =	ssyncset.done $0x0  }
0xa1: {  	[sflag:s22] =	ssyncadd.s32 s5;
	_ =	sdelay $0x1  }
0xa2: {  	s23 =	simm.s32 $0x1B8B  }
0xa3: {  	_ =	swait.ge [sflag:s23], $0x1  }
0xa4: {  	[sflag:s23] =	ssyncset.done $0x0  }
0xa5: {  	s25 =	simm.s32 $0x1B8E;
	s24 =	sld [smem:$0x3FFE];
	[sflag:s23] =	ssyncadd.s32 $0xFFFFFFFF  }
0xa6: {  	s26 =	simm.s32 $execute0_lowered;
	[smem:$0x3FD2] =	sst s25  }
0xa7: {  	s6 =	sshll.u32 s26, $0x1;
	_ =	strace $0x80000049;
	[dreg:$0x1] =	wrdreg $0xFFFFFFFF  }
0xa8: {  	s28 =	simm.s32 $_size_execute0_lowered;
	s4 =	sadd.s32 s4, s6;
	[dreg:$0x0] =	wrdreg $0x0  }
0xa9: {  	s6 =	sshll.u32 s28, $0x1;
	[dreg:$0x2] =	wrdreg s4  }
0xaa: {  	[dreg:$0x3] =	wrdreg s6  }
0xab: {  	[dreg:$0x4] =	wrdreg $0xC0  }
0xac: {  	_ =	task [dreg:s8], $0x5FFFF  }
0xad: {  	[dreg:$0x1] =	wrdreg $0xFFFFFFFF  }
0xae: {  	[dreg:$0x0] =	wrdreg $0x60  }
0xaf: {  	[dreg:$0x2] =	wrdreg s2  }
0xb0: {  	[dreg:$0x3] =	wrdreg s18  }
0xb1: {  	[dreg:$0x4] =	wrdreg s24  }
0xb2: {  	[dreg:$0x5] =	wrdreg $0x9  }
0xb3: {  	_ =	task.clear_ibuf [dreg:s8], $0x6FFFF;
	_ =	strace $0x90000049  }
0xb4: {  	s29 =	simm.s32 $0x9;
	_ =	strace $0x8000004B  }
0xb5: {  	_ =	swait.ge [sflag:s29], $0x1  }
0xb6: {  	[sflag:s29] =	ssyncadd.s32 $0xFFFFFFFF  }
0xb7: {  	_ =	strace $0x9000004B  }
0xb8: {  	_ =	sfence  }
0xb9: {  	s30 =	sld [smem:$0x0];
	_ =	sdelay $0x2  }
0xba: {  	s31 =	sshll.u32 s1, $0xD;
	s1 =	sshrl.u32 s1, $0x2  }
0xbb: {  	s3 =	sand.u32 $0x4000, s31;
	s1 =	sadd.s32 s1, s30  }
0xbc: {  	s0 =	sor.u32 s3, s0;
	s1 =	sshll.u32 s1, $0x11  }
0xbd: {  	s0 =	sor.u32 s1, s0  }
0xbe: {  	s0 =	sadd.s32 $0x8F2B, s0  }
0xbf: {  	[sflag:s0] =	ssyncadd.remote.s32 $0x1  }
0xc0: {  	_ =	sfence.sel $0xFFFF  }
0xc1: {  	[dreg:$0x0] =	wrdreg $0xFFFFFFFF;
	(pc) =	sbr.abs _section_cstart, $3  }
0xc2: {  	[dreg:$0x1] =	wrdreg $0xFFFFFFFF  }
0xc3: {  	_ =	task.clear_ibuf [dreg:s8], $0x2FFFF;
	_ =	strace $0x9FFFFFFF  }
0xc4: {  	(tm) =	ssettm $0x7FFFFFFF  }
0xc5: {  	_ =	shalt  }
tec
execute0_lowered:
.L_overlay_start_1:
0x0: {  	(tag) =	ssettag $0x1  }
0x1: {  	s0 =	rddreg [dreg:$0x0]  }
0x2: {  	s1 =	rddreg [dreg:$0x1]  }
0x3: {  	s6 =	rddreg [dreg:$0x2]  }
0x4: {  	s3 =	srdreg.scid;
	s4 =	stileid.u32;
	s2 =	simm.s32 $0x0  }
0x5: {  	s18 =	simm.s32 $0x100;
	s21 =	simm.s32 $0x1100;
	s22 =	simm.s32 $0x1900  }
0x6: {  	s23 =	simm.s32 $0x2100;
	s28 =	simm.s32 $0x4100;
	s29 =	simm.s32 $0x4900  }
0x7: {  	s30 =	simm.s32 $0x5100;
	s31 =	simm.s32 $0x5900;
	s10 =	simm.s32 $0x7100  }
0x8: {  	s11 =	simm.s32 $0x7900;
	s12 =	simm.s32 $0x8100;
	s13 =	simm.s32 $0x8900  }
0x9: {  	s14 =	simm.s32 $0x9100;
	s15 =	simm.s32 $0x9900;
	s16 =	simm.s32 $0xA100  }
0xa: {  	s17 =	simm.s32 $0xA900;
	s9 =	simm.s32 $0xB100;
	s19 =	simm.s32 $0xB900  }
0xb: {  	s3 =	sand.u32 $0x1, s3;
	s4 =	sshll.u32 s4, $0x1;
	[smem:$0x7FF] =	sst s2  }
0xc: {  	s8 =	simm.s32 $0xC100;
	s4 =	sor.u32 s3, s4;
	_ =	strace $0x8000004A  }
0xd: {  	s7 =	ssub.s32 $0x2, s3;
	s3 =	sadd.s32 $0x1400, s6;
	s5 =	sshll.u32 s4, $0x5  }
0xe: {  	s24 =	sshll.u32 s4, $0xD;
	s25 =	sshrl.u32 s7, $0x1;
	s4 =	sadd.s32 $0x1500, s6  }
0xf: {  	s1 =	sadd.s32 s1, s5;
	s0 =	sadd.s32 s0, s24;
	s26 =	ssub.s32 s7, s25  }
0x10: {  	v2 =	vlaneseq.u32;
	s5 =	sadd.s32 $0x1600, s6;
	s6 =	sadd.s32 $0x1700, s6;
	[dreg:$0x4] =	wrdreg s1  }
0x11: {  	vm0 =	vmmov $0xffff;
	v1 =	vshrl.u32 v2, $0x3;
	s24 =	simm.s32 $0x2900;
	s25 =	simm.s32 $0x3100;
	[dreg:$0x5] =	wrdreg s0  }
0x12: {  	v0 =	vand.u32 $0x7, v2;
	v2 =	vor.u32 $0x8, v2;
	v1 =	vmul.u32 $0x8, v1;
	s7 =	smax.u32 s26, $0x1;
	s26 =	simm.s32 $0x3900;
	s1 =	simm.s32 $0x6900  }
.LBB2_1:
0x13: {  	s20 =	rddreg [dreg:$0x4];
	s0 =	simm.s32 $0x3  }
0x14: {  	[tilespmem:s2], [sflag:$0x3] =	stream.linear.gather [hbm4b:s20+s2], $0x100, $0x38;
	[tilespmem:$0x10100] =	vst v63  }
0x15: {  	_ =	swait.ge [sflag:s0], $0x100  }
0x16: {  	[sflag:s0] =	ssyncset.done $0x0  }
0x17: {  	s20 =	rddreg [dreg:$0x5];
	[sflag:s0] =	ssyncadd.s32 $0xFFFFFF00  }
0x18: {  	[tilespmem:s18], [sflag:$0x3] =	stream.linear.gather [hbm4b:s20+s2], $0x10000, $0x38;
	[tilespmem:$0x10100] =	vst v63  }
0x19: {  	_ =	swait.ge [sflag:s0], $0x10000  }
0x1a: {  	[sflag:s0] =	ssyncset.done $0x0  }
0x1b: {  	[sflag:s0] =	ssyncadd.s32 $0xFFFF0000  }
0x1c: {  	v3 =	vld [tilespmem:$0x0];
	_ =	sdelay $0x4  }
0x1d: {  	v4 =	vshll.u32 v3, $0x3  }
0x1e: {  	v3 =	vand.u32 $0x7, v3;
	v4 =	vand.u32 $0xFFFFFFC0, v4  }
0x1f: {  	v3 =	vor.u32 v3, v4  }
0x20: {  	v4 =	vperm.xlane v3, v0;
	_ =	sdelay $0x1  }
0x21: {  	v4 =	vadd.s32 v1, v4;
	_ =	sdelay $0x4  }
0x22: {  	[hbm4b:s3+s2] =	stream.indirect_vreg.scatter [tilespmem:s18], [sflag:$0x1], $0x80, v4, vm0, $0xb8;
	[tilespmem:$0x10100] =	vst v63  }
0x23: {  	s20 =	simm.s32 $0x900;
	v3 =	vperm.xlane v3, v2  }
0x24: {  	[hbm4b:s4+s2] =	stream.indirect_vreg.scatter [tilespmem:s20], [sflag:$0x1], $0x80, v4, vm0, $0xb8;
	[tilespmem:$0x10100] =	vst v63  }
0x25: {  	v3 =	vadd.s32 v1, v3  }
0x26: {  	[hbm4b:s5+s2] =	stream.indirect_vreg.scatter [tilespmem:s21], [sflag:$0x1], $0x80, v4, vm0, $0xb8;
	[tilespmem:$0x10100] =	vst v63  }
0x27: {  	_ = 	snop  }
0x28: {  	[hbm4b:s6+s2] =	stream.indirect_vreg.scatter [tilespmem:s22], [sflag:$0x1], $0x80, v4, vm0, $0xb8;
	[tilespmem:$0x10100] =	vst v63  }
0x29: {  	_ = 	snop  }
0x2a: {  	[hbm4b:s3+s2] =	stream.indirect_vreg.scatter [tilespmem:s23], [sflag:$0x1], $0x80, v3, vm0, $0xb8;
	[tilespmem:$0x10100] =	vst v63  }
0x2b: {  	_ = 	snop  }
0x2c: {  	[hbm4b:s4+s2] =	stream.indirect_vreg.scatter [tilespmem:s24], [sflag:$0x1], $0x80, v3, vm0, $0xb8;
	[tilespmem:$0x10100] =	vst v63  }
0x2d: {  	_ = 	snop  }
0x2e: {  	[hbm4b:s5+s2] =	stream.indirect_vreg.scatter [tilespmem:s25], [sflag:$0x1], $0x80, v3, vm0, $0xb8;
	[tilespmem:$0x10100] =	vst v63  }
0x2f: {  	_ = 	snop  }
0x30: {  	[hbm4b:s6+s2] =	stream.indirect_vreg.scatter [tilespmem:s26], [sflag:$0x1], $0x80, v3, vm0, $0xb8;
	[tilespmem:$0x10100] =	vst v63  }
0x31: {  	v3 =	vld [tilespmem:$0x10];
	_ =	sdelay $0x4  }
0x32: {  	v57 =	vshll.u32 v3, $0x3  }
0x33: {  	v3 =	vand.u32 $0x7, v3;
	v4 =	vand.u32 $0xFFFFFFC0, v57  }
0x34: {  	v3 =	vor.u32 v3, v4  }
0x35: {  	v4 =	vperm.xlane v3, v0;
	_ =	sdelay $0x1  }
0x36: {  	v4 =	vadd.s32 v1, v4;
	_ =	sdelay $0x4  }
0x37: {  	[hbm4b:s3+s2] =	stream.indirect_vreg.scatter [tilespmem:s28], [sflag:$0x1], $0x80, v4, vm0, $0xb8;
	[tilespmem:$0x10100] =	vst v63  }
0x38: {  	v3 =	vperm.xlane v3, v2  }
0x39: {  	[hbm4b:s4+s2] =	stream.indirect_vreg.scatter [tilespmem:s29], [sflag:$0x1], $0x80, v4, vm0, $0xb8;
	[tilespmem:$0x10100] =	vst v63  }
0x3a: {  	v3 =	vadd.s32 v1, v3  }
0x3b: {  	[hbm4b:s5+s2] =	stream.indirect_vreg.scatter [tilespmem:s30], [sflag:$0x1], $0x80, v4, vm0, $0xb8;
	[tilespmem:$0x10100] =	vst v63  }
0x3c: {  	_ = 	snop  }
0x3d: {  	[hbm4b:s6+s2] =	stream.indirect_vreg.scatter [tilespmem:s31], [sflag:$0x1], $0x80, v4, vm0, $0xb8;
	[tilespmem:$0x10100] =	vst v63  }
0x3e: {  	s0 =	simm.s32 $0x6100  }
0x3f: {  	[hbm4b:s3+s2] =	stream.indirect_vreg.scatter [tilespmem:s0], [sflag:$0x1], $0x80, v3, vm0, $0xb8;
	[tilespmem:$0x10100] =	vst v63  }
0x40: {  	_ = 	snop  }
0x41: {  	[hbm4b:s4+s2] =	stream.indirect_vreg.scatter [tilespmem:s1], [sflag:$0x1], $0x80, v3, vm0, $0xb8;
	[tilespmem:$0x10100] =	vst v63  }
0x42: {  	_ = 	snop  }
0x43: {  	[hbm4b:s5+s2] =	stream.indirect_vreg.scatter [tilespmem:s10], [sflag:$0x1], $0x80, v3, vm0, $0xb8;
	[tilespmem:$0x10100] =	vst v63  }
0x44: {  	_ = 	snop  }
0x45: {  	[hbm4b:s6+s2] =	stream.indirect_vreg.scatter [tilespmem:s11], [sflag:$0x1], $0x80, v3, vm0, $0xb8;
	[tilespmem:$0x10100] =	vst v63  }
0x46: {  	v3 =	vld [tilespmem:$0x20];
	_ =	sdelay $0x4  }
0x47: {  	v58 =	vshll.u32 v3, $0x3  }
0x48: {  	v3 =	vand.u32 $0x7, v3;
	v4 =	vand.u32 $0xFFFFFFC0, v58  }
0x49: {  	v3 =	vor.u32 v3, v4  }
0x4a: {  	v4 =	vperm.xlane v3, v0;
	_ =	sdelay $0x1  }
0x4b: {  	v4 =	vadd.s32 v1, v4;
	_ =	sdelay $0x4  }
0x4c: {  	[hbm4b:s3+s2] =	stream.indirect_vreg.scatter [tilespmem:s12], [sflag:$0x1], $0x80, v4, vm0, $0xb8;
	[tilespmem:$0x10100] =	vst v63  }
0x4d: {  	v3 =	vperm.xlane v3, v2  }
0x4e: {  	[hbm4b:s4+s2] =	stream.indirect_vreg.scatter [tilespmem:s13], [sflag:$0x1], $0x80, v4, vm0, $0xb8;
	[tilespmem:$0x10100] =	vst v63  }
0x4f: {  	v3 =	vadd.s32 v1, v3  }
0x50: {  	[hbm4b:s5+s2] =	stream.indirect_vreg.scatter [tilespmem:s14], [sflag:$0x1], $0x80, v4, vm0, $0xb8;
	[tilespmem:$0x10100] =	vst v63  }
0x51: {  	_ = 	snop  }
0x52: {  	[hbm4b:s6+s2] =	stream.indirect_vreg.scatter [tilespmem:s15], [sflag:$0x1], $0x80, v4, vm0, $0xb8;
	[tilespmem:$0x10100] =	vst v63  }
0x53: {  	_ = 	snop  }
0x54: {  	[hbm4b:s3+s2] =	stream.indirect_vreg.scatter [tilespmem:s16], [sflag:$0x1], $0x80, v3, vm0, $0xb8;
	[tilespmem:$0x10100] =	vst v63  }
0x55: {  	_ = 	snop  }
0x56: {  	[hbm4b:s4+s2] =	stream.indirect_vreg.scatter [tilespmem:s17], [sflag:$0x1], $0x80, v3, vm0, $0xb8;
	[tilespmem:$0x10100] =	vst v63  }
0x57: {  	_ = 	snop  }
0x58: {  	[hbm4b:s5+s2] =	stream.indirect_vreg.scatter [tilespmem:s9], [sflag:$0x1], $0x80, v3, vm0, $0xb8;
	[tilespmem:$0x10100] =	vst v63  }
0x59: {  	_ = 	snop  }
0x5a: {  	[hbm4b:s6+s2] =	stream.indirect_vreg.scatter [tilespmem:s19], [sflag:$0x1], $0x80, v3, vm0, $0xb8;
	[tilespmem:$0x10100] =	vst v63  }
0x5b: {  	v3 =	vld [tilespmem:$0x30];
	_ =	sdelay $0x4  }
0x5c: {  	v59 =	vshll.u32 v3, $0x3  }
0x5d: {  	v3 =	vand.u32 $0x7, v3;
	v4 =	vand.u32 $0xFFFFFFC0, v59  }
0x5e: {  	v3 =	vor.u32 v3, v4  }
0x5f: {  	v4 =	vperm.xlane v3, v0;
	_ =	sdelay $0x1  }
0x60: {  	v4 =	vadd.s32 v1, v4;
	_ =	sdelay $0x4  }
0x61: {  	[hbm4b:s3+s2] =	stream.indirect_vreg.scatter [tilespmem:s8], [sflag:$0x1], $0x80, v4, vm0, $0xb8;
	[tilespmem:$0x10100] =	vst v63  }
0x62: {  	s0 =	simm.s32 $0xC900;
	v3 =	vperm.xlane v3, v2  }
0x63: {  	[hbm4b:s4+s2] =	stream.indirect_vreg.scatter [tilespmem:s0], [sflag:$0x1], $0x80, v4, vm0, $0xb8;
	[tilespmem:$0x10100] =	vst v63  }
0x64: {  	v3 =	vadd.s32 v1, v3;
	s0 =	simm.s32 $0xD100  }
0x65: {  	[hbm4b:s5+s2] =	stream.indirect_vreg.scatter [tilespmem:s0], [sflag:$0x1], $0x80, v4, vm0, $0xb8;
	[tilespmem:$0x10100] =	vst v63  }
0x66: {  	s0 =	simm.s32 $0xD900  }
0x67: {  	[hbm4b:s6+s2] =	stream.indirect_vreg.scatter [tilespmem:s0], [sflag:$0x1], $0x80, v4, vm0, $0xb8;
	[tilespmem:$0x10100] =	vst v63  }
0x68: {  	s0 =	simm.s32 $0xE100  }
0x69: {  	[hbm4b:s3+s2] =	stream.indirect_vreg.scatter [tilespmem:s0], [sflag:$0x1], $0x80, v3, vm0, $0xb8;
	[tilespmem:$0x10100] =	vst v63  }
0x6a: {  	s0 =	simm.s32 $0xE900  }
0x6b: {  	[hbm4b:s4+s2] =	stream.indirect_vreg.scatter [tilespmem:s0], [sflag:$0x1], $0x80, v3, vm0, $0xb8;
	[tilespmem:$0x10100] =	vst v63  }
0x6c: {  	s0 =	simm.s32 $0xF100  }
0x6d: {  	[hbm4b:s5+s2] =	stream.indirect_vreg.scatter [tilespmem:s0], [sflag:$0x1], $0x80, v3, vm0, $0xb8;
	[tilespmem:$0x10100] =	vst v63  }
0x6e: {  	s0 =	simm.s32 $0xF900  }
0x6f: {  	[hbm4b:s6+s2] =	stream.indirect_vreg.scatter [tilespmem:s0], [sflag:$0x1], $0x80, v3, vm0, $0xb8;
	[tilespmem:$0x10100] =	vst v63  }
0x70: {  	v3 =	vld [tilespmem:$0x80];
	_ =	sdelay $0x4  }
0x71: {  	v60 =	vshll.u32 v3, $0x3  }
0x72: {  	v3 =	vand.u32 $0x7, v3;
	v4 =	vand.u32 $0xFFFFFFC0, v60  }
0x73: {  	v3 =	vor.u32 v3, v4  }
0x74: {  	v4 =	vperm.xlane v3, v0;
	_ =	sdelay $0x1  }
0x75: {  	v4 =	vadd.s32 v1, v4;
	_ =	sdelay $0x4  }
0x76: {  	[hbm4b:s3+s2] =	stream.indirect_vreg.scatter [tilespmem:s18], [sflag:$0x2], $0x80, v4, vm0, $0xb8;
	[tilespmem:$0x10100] =	vst v63  }
0x77: {  	v3 =	vperm.xlane v3, v2  }
0x78: {  	[hbm4b:s4+s2] =	stream.indirect_vreg.scatter [tilespmem:s20], [sflag:$0x2], $0x80, v4, vm0, $0xb8;
	[tilespmem:$0x10100] =	vst v63  }
0x79: {  	v3 =	vadd.s32 v1, v3  }
0x7a: {  	[hbm4b:s5+s2] =	stream.indirect_vreg.scatter [tilespmem:s21], [sflag:$0x2], $0x80, v4, vm0, $0xb8;
	[tilespmem:$0x10100] =	vst v63  }
0x7b: {  	_ = 	snop  }
0x7c: {  	[hbm4b:s6+s2] =	stream.indirect_vreg.scatter [tilespmem:s22], [sflag:$0x2], $0x80, v4, vm0, $0xb8;
	[tilespmem:$0x10100] =	vst v63  }
0x7d: {  	_ = 	snop  }
0x7e: {  	[hbm4b:s3+s2] =	stream.indirect_vreg.scatter [tilespmem:s23], [sflag:$0x2], $0x80, v3, vm0, $0xb8;
	[tilespmem:$0x10100] =	vst v63  }
0x7f: {  	_ = 	snop  }
0x80: {  	[hbm4b:s4+s2] =	stream.indirect_vreg.scatter [tilespmem:s24], [sflag:$0x2], $0x80, v3, vm0, $0xb8;
	[tilespmem:$0x10100] =	vst v63  }
0x81: {  	_ = 	snop  }
0x82: {  	[hbm4b:s5+s2] =	stream.indirect_vreg.scatter [tilespmem:s25], [sflag:$0x2], $0x80, v3, vm0, $0xb8;
	[tilespmem:$0x10100] =	vst v63  }
0x83: {  	_ = 	snop  }
0x84: {  	[hbm4b:s6+s2] =	stream.indirect_vreg.scatter [tilespmem:s26], [sflag:$0x2], $0x80, v3, vm0, $0xb8;
	[tilespmem:$0x10100] =	vst v63  }
0x85: {  	v3 =	vld [tilespmem:$0x90];
	_ =	sdelay $0x4  }
0x86: {  	v61 =	vshll.u32 v3, $0x3  }
0x87: {  	v3 =	vand.u32 $0x7, v3;
	v4 =	vand.u32 $0xFFFFFFC0, v61  }
0x88: {  	v3 =	vor.u32 v3, v4  }
0x89: {  	v4 =	vperm.xlane v3, v0;
	_ =	sdelay $0x1  }
0x8a: {  	v4 =	vadd.s32 v1, v4;
	_ =	sdelay $0x4  }
0x8b: {  	[hbm4b:s3+s2] =	stream.indirect_vreg.scatter [tilespmem:s28], [sflag:$0x2], $0x80, v4, vm0, $0xb8;
	[tilespmem:$0x10100] =	vst v63  }
0x8c: {  	v3 =	vperm.xlane v3, v2  }
0x8d: {  	[hbm4b:s4+s2] =	stream.indirect_vreg.scatter [tilespmem:s29], [sflag:$0x2], $0x80, v4, vm0, $0xb8;
	[tilespmem:$0x10100] =	vst v63  }
0x8e: {  	v3 =	vadd.s32 v1, v3  }
0x8f: {  	[hbm4b:s5+s2] =	stream.indirect_vreg.scatter [tilespmem:s30], [sflag:$0x2], $0x80, v4, vm0, $0xb8;
	[tilespmem:$0x10100] =	vst v63  }
0x90: {  	_ = 	snop  }
0x91: {  	[hbm4b:s6+s2] =	stream.indirect_vreg.scatter [tilespmem:s31], [sflag:$0x2], $0x80, v4, vm0, $0xb8;
	[tilespmem:$0x10100] =	vst v63  }
0x92: {  	s20 =	simm.s32 $0x6100  }
0x93: {  	[hbm4b:s3+s2] =	stream.indirect_vreg.scatter [tilespmem:s20], [sflag:$0x2], $0x80, v3, vm0, $0xb8;
	[tilespmem:$0x10100] =	vst v63  }
0x94: {  	_ = 	snop  }
0x95: {  	[hbm4b:s4+s2] =	stream.indirect_vreg.scatter [tilespmem:s1], [sflag:$0x2], $0x80, v3, vm0, $0xb8;
	[tilespmem:$0x10100] =	vst v63  }
0x96: {  	_ = 	snop  }
0x97: {  	[hbm4b:s5+s2] =	stream.indirect_vreg.scatter [tilespmem:s10], [sflag:$0x2], $0x80, v3, vm0, $0xb8;
	[tilespmem:$0x10100] =	vst v63  }
0x98: {  	_ = 	snop  }
0x99: {  	[hbm4b:s6+s2] =	stream.indirect_vreg.scatter [tilespmem:s11], [sflag:$0x2], $0x80, v3, vm0, $0xb8;
	[tilespmem:$0x10100] =	vst v63  }
0x9a: {  	v3 =	vld [tilespmem:$0xA0];
	_ =	sdelay $0x4  }
0x9b: {  	v62 =	vshll.u32 v3, $0x3  }
0x9c: {  	v3 =	vand.u32 $0x7, v3;
	v4 =	vand.u32 $0xFFFFFFC0, v62  }
0x9d: {  	v3 =	vor.u32 v3, v4  }
0x9e: {  	v4 =	vperm.xlane v3, v0;
	_ =	sdelay $0x1  }
0x9f: {  	v4 =	vadd.s32 v1, v4;
	_ =	sdelay $0x4  }
0xa0: {  	[hbm4b:s3+s2] =	stream.indirect_vreg.scatter [tilespmem:s12], [sflag:$0x2], $0x80, v4, vm0, $0xb8;
	[tilespmem:$0x10100] =	vst v63  }
0xa1: {  	v3 =	vperm.xlane v3, v2  }
0xa2: {  	[hbm4b:s4+s2] =	stream.indirect_vreg.scatter [tilespmem:s13], [sflag:$0x2], $0x80, v4, vm0, $0xb8;
	[tilespmem:$0x10100] =	vst v63  }
0xa3: {  	v3 =	vadd.s32 v1, v3  }
0xa4: {  	[hbm4b:s5+s2] =	stream.indirect_vreg.scatter [tilespmem:s14], [sflag:$0x2], $0x80, v4, vm0, $0xb8;
	[tilespmem:$0x10100] =	vst v63  }
0xa5: {  	_ = 	snop  }
0xa6: {  	[hbm4b:s6+s2] =	stream.indirect_vreg.scatter [tilespmem:s15], [sflag:$0x2], $0x80, v4, vm0, $0xb8;
	[tilespmem:$0x10100] =	vst v63  }
0xa7: {  	_ = 	snop  }
0xa8: {  	[hbm4b:s3+s2] =	stream.indirect_vreg.scatter [tilespmem:s16], [sflag:$0x2], $0x80, v3, vm0, $0xb8;
	[tilespmem:$0x10100] =	vst v63  }
0xa9: {  	_ = 	snop  }
0xaa: {  	[hbm4b:s4+s2] =	stream.indirect_vreg.scatter [tilespmem:s17], [sflag:$0x2], $0x80, v3, vm0, $0xb8;
	[tilespmem:$0x10100] =	vst v63  }
0xab: {  	_ = 	snop  }
0xac: {  	[hbm4b:s5+s2] =	stream.indirect_vreg.scatter [tilespmem:s9], [sflag:$0x2], $0x80, v3, vm0, $0xb8;
	[tilespmem:$0x10100] =	vst v63  }
0xad: {  	_ = 	snop  }
0xae: {  	[hbm4b:s6+s2] =	stream.indirect_vreg.scatter [tilespmem:s19], [sflag:$0x2], $0x80, v3, vm0, $0xb8;
	[tilespmem:$0x10100] =	vst v63  }
0xaf: {  	v3 =	vld [tilespmem:$0xB0];
	_ =	sdelay $0x4  }
0xb0: {  	v63 =	vshll.u32 v3, $0x3  }
0xb1: {  	v3 =	vand.u32 $0x7, v3;
	v4 =	vand.u32 $0xFFFFFFC0, v63  }
0xb2: {  	v3 =	vor.u32 v3, v4  }
0xb3: {  	v4 =	vperm.xlane v3, v0;
	_ =	sdelay $0x1  }
0xb4: {  	v4 =	vadd.s32 v1, v4;
	_ =	sdelay $0x4  }
0xb5: {  	[hbm4b:s3+s2] =	stream.indirect_vreg.scatter [tilespmem:s8], [sflag:$0x2], $0x80, v4, vm0, $0xb8;
	[tilespmem:$0x10100] =	vst v63  }
0xb6: {  	s20 =	simm.s32 $0xC900;
	v3 =	vperm.xlane v3, v2  }
0xb7: {  	[hbm4b:s4+s2] =	stream.indirect_vreg.scatter [tilespmem:s20], [sflag:$0x2], $0x80, v4, vm0, $0xb8;
	[tilespmem:$0x10100] =	vst v63  }
0xb8: {  	v3 =	vadd.s32 v1, v3;
	s20 =	simm.s32 $0xD100  }
0xb9: {  	[hbm4b:s5+s2] =	stream.indirect_vreg.scatter [tilespmem:s20], [sflag:$0x2], $0x80, v4, vm0, $0xb8;
	[tilespmem:$0x10100] =	vst v63  }
0xba: {  	s20 =	simm.s32 $0xD900  }
0xbb: {  	[hbm4b:s6+s2] =	stream.indirect_vreg.scatter [tilespmem:s20], [sflag:$0x2], $0x80, v4, vm0, $0xb8;
	[tilespmem:$0x10100] =	vst v63  }
0xbc: {  	s20 =	simm.s32 $0xE100  }
0xbd: {  	[hbm4b:s3+s2] =	stream.indirect_vreg.scatter [tilespmem:s20], [sflag:$0x2], $0x80, v3, vm0, $0xb8;
	[tilespmem:$0x10100] =	vst v63  }
0xbe: {  	s20 =	simm.s32 $0xE900  }
0xbf: {  	[hbm4b:s4+s2] =	stream.indirect_vreg.scatter [tilespmem:s20], [sflag:$0x2], $0x80, v3, vm0, $0xb8;
	[tilespmem:$0x10100] =	vst v63  }
0xc0: {  	s20 =	simm.s32 $0xF100  }
0xc1: {  	[hbm4b:s5+s2] =	stream.indirect_vreg.scatter [tilespmem:s20], [sflag:$0x2], $0x80, v3, vm0, $0xb8;
	[tilespmem:$0x10100] =	vst v63  }
0xc2: {  	s20 =	simm.s32 $0xF900  }
0xc3: {  	[hbm4b:s6+s2] =	stream.indirect_vreg.scatter [tilespmem:s20], [sflag:$0x2], $0x80, v3, vm0, $0xb8;
	[tilespmem:$0x10100] =	vst v63  }
0xc4: {  	s20 =	simm.s32 $0x1  }
0xc5: {  	p0 =	sne.s32 s7, $0x1;
	_ =	swait.ge [sflag:s20], $0x10000  }
.Ltmp0:
0xc6: {  	[sflag:s20] =	ssyncset.done $0x0;
	(pc) =	sbr.rel @p0 .LBB2_1-.Ltmp0, $4  }
0xc7: {  	[sflag:s20] =	ssyncadd.s32 $0xFFFF0000;
	s20 =	simm.s32 $0x2  }
0xc8: {  	_ =	swait.ge [sflag:s20], $0x10000  }
0xc9: {  	[sflag:s20] =	ssyncset.done $0x0  }
0xca: {  	s7 =	sadd.s32 $0xFFFFFFFF, s7;
	[sflag:s20] =	ssyncadd.s32 $0xFFFF0000  }
0xcb: {  	_ =	sfence.sel $0x180000  }
0xcc: {  	[bflag:$0x0] =	sbarrier.arrive $0xFFFF  }
0xcd: {  	_ =	strace $0x9000004A  }
0xce: {  	s0 =	stileid.u32;
	[bflag:$0x2] =	sbarrier.arrive $0xFFFF  }
0xcf: {  	p0 =	sne.s32 s0, $0x0;
	s0 =	rddreg [dreg:$0x3]  }
0xd0: {  	s0 =	sadd.s32 @!p0 $0x100000, s0  }
0xd1: {  	[sflag:s0] =	ssyncadd.tile.s32 @!p0 $0x1;
	_ =	shalt  }
.Lfunc_end2:
_tile_overlayer_lowered:
.L_overlay_start_2:
0xd2: {  	(tag) =	ssettag $0x2  }
0xd3: {  	s0 =	rddreg [dreg:$0x0];
	s2 =	stileid.u32  }
0xd4: {  	s1 =	rddreg [dreg:$0x1];
	p0 =	sne.s32 s2, $0x0  }
0xd5: {  	s3 =	rddreg [dreg:$0x2];
	[bflag:$0x3] =	sbarrier.arrive $0xFFFF;
	s2 =	simm.s32 @!p0 $0x1C03  }
0xd6: {  	[timem:s3], [sflag:s2] =	dma.local @!p0 [hbm:s0], s1  }
0xd7: {  	s0 =	simm.s32 @!p0 $0x3  }
0xd8: {  	_ =	swait.ge @!p0 [sflag:s0], s1  }
0xd9: {  	s1 =	ssub.s32 @!p0 $0x0, s1;
	[sflag:s0] =	ssyncset.done @!p0 $0x0  }
0xda: {  	[sflag:s0] =	ssyncadd.s32 @!p0 s1  }
0xdb: {  	[bflag:$0x3] =	sbarrier.arrive $0xFFFF  }
0xdc: {  	_ =	shalt  }

// kernel: kernel.8.cloned.1.call-start
scs
__scs_entry_jumppad:
0x0: {  	(pc) =	sbr.rel $0x88, $3  }
0x1: {  	(tag) =	ssettag $0x0;
	lr =	simm.s32 $0x1  }
0x2: {  	[smem:$0x3F9C] =	sst lr;
	_ =	strace $0xD0000000  }
0x3: {  	_ = 	snop  }
0x4: {  	_ = 	snop  }
0x5: {  	_ = 	snop  }
0x6: {  	_ = 	snop  }
0x7: {  	_ = 	snop  }
__scs_overlays_trampoline_lowered:
0x8: {  	[smem:$0x3FAB] =	sst s0  }
0x9: {  	[smem:$0x3FAC] =	sst s1  }
0xa: {  	[smem:$0x3FAD] =	sst s2  }
0xb: {  	[smem:$0x3FAE] =	sst s3  }
0xc: {  	[smem:$0x3FAF] =	sst s4  }
0xd: {  	[smem:$0x3FB0] =	sst s5  }
0xe: {  	[smem:$0x3FB1] =	sst s6  }
0xf: {  	[smem:$0x3FB2] =	sst s7  }
0x10: {  	[smem:$0x3FB3] =	sst s8  }
0x11: {  	[smem:$0x3FB4] =	sst s9;
	s0 =	simm.s32 @!p0 $0x0  }
0x12: {  	s1 =	sld [smem:$0x3F9A];
	s0 =	simm.s32 @p0 $0x1  }
0x13: {  	[smem:$0x3FB5] =	sst s0;
	s0 =	simm.s32 @!p1 $0x0  }
0x14: {  	s2 =	sld [smem:$0x3F99];
	s0 =	simm.s32 @p1 $0x1  }
0x15: {  	[smem:$0x3FB6] =	sst s0;
	s0 =	simm.s32 @!p2 $0x0  }
0x16: {  	s3 =	sld [smem:$0x3FDB];
	s0 =	simm.s32 @p2 $0x1  }
0x17: {  	s4 =	simm.s32 $0x1BF5;
	[smem:$0x3FB8] =	sst s0  }
0x18: {  	s0 =	sld [smem:$0x3F9B];
	_ =	swait.ge [sflag:s4], $0x0  }
0x19: {  	s7 =	sld [smem:$0x3F9C]  }
0x1a: {  	s8 =	sadd.s32 $0xFFFFE003, lr  }
0x1b: {  	s9 =	sadd.s32 $0xFFFFFEF7, lr;
	s5 =	simm.s32 $0xFFFFFFFF;
	p2 =	slt.u32 s8, $0xFFFFF086  }
0x1c: {  	p1 =	slt.u32 s9, $0xF7A;
	s5 =	simm.s32 @!p2 $0x0  }
0x1d: {  	s5 =	simm.s32 @p1 $0x1;
	p0 =	seq.s32 s7, s2  }
0x1e: {  	s7 =	smul.u32 @!p0 $0xF7A, s2;
	p2 =	seq.s32 @!p0 s5, $0x0  }
0x1f: {  	s9 =	smul.u32 $0xF7A, s1;
	s8 =	simm.s32 @!p0 $0x1BF5;
	p2 =	por !p2, p0  }
0x20: {  	[sflag:s8] =	ssyncset.s32 @!p0 $0xFFFFF086;
	s6 =	sadd.s32 @!p0 s3, s7;
	s7 =	simm.s32 @!p0 $0x108  }
0x21: {  	s3 =	sadd.s32 s3, s9;
	s6 =	sadd.s32 @!p0 $0x88, s6;
	s7 =	simm.s32 @p2 $0x1082  }
0x22: {  	[simem:s7], [sflag:s8] =	dma.local @!p0 [hbm:s6], $0xF7A  }
0x23: {  	s9 =	sor.u32 $0xD0000000, s2;
	s6 =	simm.s32 $0x108;
	_ =	swait.ge @!p0 [sflag:s8], $0x0  }
0x24: {  	s3 =	sadd.s32 $0x88, s3;
	s6 =	simm.s32 @!p1 $0x1082;
	[sflag:s4] =	ssyncset.s32 $0xFFFFF086  }
0x25: {  	[simem:s6], [sflag:s4] =	dma.local [hbm:s3], $0xF7A  }
0x26: {  	[smem:$0x3F9C] =	sst s1;
	(tag) =	ssettag s2;
	_ =	strace s9  }
0x27: {  	s1 =	sld [smem:$0x3FAC]  }
0x28: {  	s2 =	sld [smem:$0x3FAD]  }
0x29: {  	s4 =	sld [smem:$0x3FAF]  }
0x2a: {  	p0 =	seq.s32 s5, $0x0;
	s5 =	sld [smem:$0x3FB0]  }
0x2b: {  	s6 =	sld [smem:$0x3FB1]  }
0x2c: {  	s7 =	sld [smem:$0x3FB2]  }
0x2d: {  	s3 =	simm.s32 $0x108;
	s8 =	sld [smem:$0x3FB3]  }
0x2e: {  	s3 =	simm.s32 @!p0 $0x1082;
	s9 =	sld [smem:$0x3FB4]  }
0x2f: {  	lr =	sadd.s32 s0, s3;
	s0 =	sld [smem:$0x3FAB]  }
0x30: {  	s3 =	sld [smem:$0x3FAE]  }
0x31: {  	[smem:$0x3FB7] =	sst s10  }
0x32: {  	s10 =	sld [smem:$0x3FB5];
	_ =	sdelay $0x3  }
0x33: {  	p0 =	seq.s32 s10, $0x1;
	s10 =	sld [smem:$0x3FB7];
	_ =	sdelay $0x3  }
0x34: {  	[smem:$0x3FB7] =	sst s10  }
0x35: {  	s10 =	sld [smem:$0x3FB6];
	_ =	sdelay $0x3  }
0x36: {  	p1 =	seq.s32 s10, $0x1;
	s10 =	sld [smem:$0x3FB7];
	_ =	sdelay $0x3  }
0x37: {  	[smem:$0x3FB7] =	sst s10  }
0x38: {  	s10 =	sld [smem:$0x3FB8]  }
0x39: {  	_ = 	snop;
	(pc) =	sbr.ind lr, $3  }
0x3a: {  	_ = 	snop  }
0x3b: {  	_ = 	snop  }
0x3c: {  	p2 =	seq.s32 s10, $0x1;
	s10 =	sld [smem:$0x3FB7]  }
0x3d: {  	_ =	shalt  }
0x3e: {  	_ =	shalt  }
0x3f: {  	_ =	shalt  }
0x40: {  	_ =	shalt  }
0x41: {  	_ =	shalt  }
0x42: {  	_ =	shalt  }
0x43: {  	_ =	shalt  }
0x44: {  	_ =	shalt  }
0x45: {  	_ =	shalt  }
0x46: {  	_ =	shalt  }
0x47: {  	_ =	shalt  }
0x48: {  	_ =	shalt  }
0x49: {  	_ =	shalt  }
0x4a: {  	_ =	shalt  }
0x4b: {  	_ =	shalt  }
0x4c: {  	_ =	shalt  }
0x4d: {  	_ =	shalt  }
0x4e: {  	_ =	shalt  }
0x4f: {  	_ =	shalt  }
0x50: {  	_ =	shalt  }
0x51: {  	_ =	shalt  }
0x52: {  	_ =	shalt  }
0x53: {  	_ =	shalt  }
0x54: {  	_ =	shalt  }
0x55: {  	_ =	shalt  }
0x56: {  	_ =	shalt  }
0x57: {  	_ =	shalt  }
0x58: {  	_ =	shalt  }
0x59: {  	_ =	shalt  }
0x5a: {  	_ =	shalt  }
0x5b: {  	_ =	shalt  }
0x5c: {  	_ =	shalt  }
0x5d: {  	_ =	shalt  }
0x5e: {  	_ =	shalt  }
0x5f: {  	_ =	shalt  }
0x60: {  	_ =	shalt  }
0x61: {  	_ =	shalt  }
0x62: {  	_ =	shalt  }
0x63: {  	_ =	shalt  }
0x64: {  	_ =	shalt  }
0x65: {  	_ =	shalt  }
0x66: {  	_ =	shalt  }
0x67: {  	_ =	shalt  }
0x68: {  	_ =	shalt  }
0x69: {  	_ =	shalt  }
0x6a: {  	_ =	shalt  }
0x6b: {  	_ =	shalt  }
0x6c: {  	_ =	shalt  }
0x6d: {  	_ =	shalt  }
0x6e: {  	_ =	shalt  }
0x6f: {  	_ =	shalt  }
0x70: {  	_ =	shalt  }
0x71: {  	_ =	shalt  }
0x72: {  	_ =	shalt  }
0x73: {  	_ =	shalt  }
0x74: {  	_ =	shalt  }
0x75: {  	_ =	shalt  }
0x76: {  	_ =	shalt  }
0x77: {  	_ =	shalt  }
0x78: {  	_ =	shalt  }
0x79: {  	_ =	shalt  }
0x7a: {  	_ =	shalt  }
0x7b: {  	_ =	shalt  }
0x7c: {  	_ =	shalt  }
0x7d: {  	_ =	shalt  }
0x7e: {  	_ =	shalt  }
0x7f: {  	_ =	shalt  }
0x80: {  	_ =	shalt  }
0x81: {  	_ =	shalt  }
0x82: {  	_ =	shalt  }
0x83: {  	_ =	shalt  }
0x84: {  	_ =	shalt  }
0x85: {  	_ =	shalt  }
0x86: {  	_ =	shalt  }
0x87: {  	_ =	shalt  }
.Lfunc_end0:
.L_simem_size_0:
called_computation.2_lowered:
.L_overlay_start_0:
0x88: {  	s2 =	sld [smem:$0x3FD9]  }
0x89: {  	s3 =	sld [smem:$0x3FFE];
	_ =	sdelay $0x1  }
0x8a: {  	s1 =	srdreg.scid  }
0x8b: {  	s0 =	sand.u32 $0x1, s1  }
0x8c: {  	s17 =	sshll.u32 s0, $0xA;
	s2 =	sadd.s32 s3, s2  }
0x8d: {  	s2 =	sadd.s32 s2, s17  }
0x8e: {  	[smem:$0x3FC3] =	sst s2  }
0x8f: {  	_ = 	snop  }
0x90: {  	s2 =	sld [smem:$0x3FD0];
	(tm) =	ssettm $0x1  }
0x91: {  	s18 =	sld [smem:$0x3FFB];
	_ =	sdelay $0x3  }
0x92: {  	_ =	strace s18  }
0x93: {  	s3 =	sld [smem:$0x3FFC];
	_ =	sdelay $0x3  }
0x94: {  	_ =	strace s3  }
0x95: {  	s3 =	sld [smem:$0x3FFD];
	_ =	sdelay $0x3  }
0x96: {  	_ =	strace s3  }
0x97: {  	_ =	strace $0x8FFFFFFF  }
0x98: {  	s19 =	sld [smem:$0x3FDB];
	_ =	sdelay $0x1  }
0x99: {  	s4 =	simm.s32 $_scs_section_size  }
0x9a: {  	s5 =	simm.s32 $_size__tile_overlayer_lowered;
	s6 =	simm.s32 $_tile_overlayer_lowered  }
0x9b: {  	s22 =	simm.s32 $0x1BFF;
	s21 =	sshll.u32 s6, $0x1;
	s3 =	sadd.s32 s4, s19  }
0x9c: {  	s7 =	simm.s32 $0x0;
	s20 =	sshll.u32 s5, $0x1;
	s5 =	sadd.s32 s21, s3  }
0x9d: {  	[timem:s7], [sflag:s22] =	dma.local [hbm:s5], s20  }
0x9e: {  	_ =	swait.ge [sflag:s22], s20  }
0x9f: {  	s4 =	ssub.s32 $0x0, s20;
	[sflag:s22] =	ssyncset.done $0x0  }
0xa0: {  	[sflag:s22] =	ssyncadd.s32 s4;
	_ =	sdelay $0x1  }
0xa1: {  	s23 =	simm.s32 $0x1B8B  }
0xa2: {  	_ =	swait.ge [sflag:s23], $0x1  }
0xa3: {  	[sflag:s23] =	ssyncset.done $0x0  }
0xa4: {  	s25 =	simm.s32 $0x1B8E;
	s24 =	sld [smem:$0x3FFE];
	[sflag:s23] =	ssyncadd.s32 $0xFFFFFFFF  }
0xa5: {  	s26 =	simm.s32 $execute0_lowered;
	[smem:$0x3FD2] =	sst s25  }
0xa6: {  	s5 =	sshll.u32 s26, $0x1;
	_ =	strace $0x8000004C;
	[dreg:$0x1] =	wrdreg $0xFFFFFFFF  }
0xa7: {  	s28 =	simm.s32 $_size_execute0_lowered;
	s3 =	sadd.s32 s3, s5;
	[dreg:$0x0] =	wrdreg $0x0  }
0xa8: {  	s5 =	sshll.u32 s28, $0x1;
	[dreg:$0x2] =	wrdreg s3  }
0xa9: {  	[dreg:$0x3] =	wrdreg s5  }
0xaa: {  	[dreg:$0x4] =	wrdreg $0xC0  }
0xab: {  	_ =	task [dreg:s7], $0x5FFFF  }
0xac: {  	[dreg:$0x1] =	wrdreg $0xFFFFFFFF  }
0xad: {  	[dreg:$0x0] =	wrdreg $0x60  }
0xae: {  	[dreg:$0x2] =	wrdreg s24  }
0xaf: {  	[dreg:$0x3] =	wrdreg s2  }
0xb0: {  	[dreg:$0x4] =	wrdreg $0x9  }
0xb1: {  	_ =	task.clear_ibuf [dreg:s7], $0x5FFFF;
	_ =	strace $0x9000004C  }
0xb2: {  	s29 =	simm.s32 $0x9;
	_ =	strace $0x8000004E  }
0xb3: {  	_ =	swait.ge [sflag:s29], $0x1  }
0xb4: {  	[sflag:s29] =	ssyncadd.s32 $0xFFFFFFFF  }
0xb5: {  	_ =	strace $0x9000004E  }
0xb6: {  	_ =	sfence  }
0xb7: {  	s30 =	sld [smem:$0x0];
	_ =	sdelay $0x2  }
0xb8: {  	s31 =	sshll.u32 s1, $0xD;
	s1 =	sshrl.u32 s1, $0x2  }
0xb9: {  	s3 =	sand.u32 $0x4000, s31;
	s1 =	sadd.s32 s1, s30  }
0xba: {  	s0 =	sor.u32 s3, s0;
	s1 =	sshll.u32 s1, $0x11  }
0xbb: {  	s0 =	sor.u32 s1, s0  }
0xbc: {  	s0 =	sadd.s32 $0x8F2B, s0  }
0xbd: {  	[sflag:s0] =	ssyncadd.remote.s32 $0x1  }
0xbe: {  	_ =	sfence.sel $0xFFFF  }
0xbf: {  	[dreg:$0x0] =	wrdreg $0xFFFFFFFF;
	(pc) =	sbr.abs _section_cstart, $3  }
0xc0: {  	[dreg:$0x1] =	wrdreg $0xFFFFFFFF  }
0xc1: {  	_ =	task.clear_ibuf [dreg:s7], $0x2FFFF;
	_ =	strace $0x9FFFFFFF  }
0xc2: {  	(tm) =	ssettm $0x7FFFFFFF  }
0xc3: {  	_ =	shalt  }
tec
execute0_lowered:
.L_overlay_start_1:
0x0: {  	(tag) =	ssettag $0x1  }
0x1: {  	s0 =	rddreg [dreg:$0x0]  }
0x2: {  	s1 =	rddreg [dreg:$0x1]  }
0x3: {  	s3 =	srdreg.scid;
	s4 =	stileid.u32  }
0x4: {  	s2 =	simm.s32 $0x0;
	s13 =	simm.s32 $0x5;
	s10 =	simm.s32 $0x200  }
0x5: {  	s18 =	simm.s32 $0xD200;
	s11 =	simm.s32 $0xDA00;
	s19 =	simm.s32 $0xE200  }
0x6: {  	s12 =	simm.s32 $0xEA00;
	s20 =	simm.s32 $0xF200;
	s21 =	simm.s32 $0xFA00  }
0x7: {  	s22 =	simm.s32 $0x1;
	s23 =	simm.s32 $0x10200;
	s24 =	simm.s32 $0x2  }
0x8: {  	s28 =	simm.s32 $0x4;
	s3 =	sand.u32 $0x1, s3;
	s4 =	sshll.u32 s4, $0x1  }
0x9: {  	s29 =	simm.s32 $0x0;
	[smem:$0x7FF] =	sst s2;
	s4 =	sor.u32 s3, s4  }
0xa: {  	s8 =	sadd.s32 $0xC1700, s0;
	s6 =	ssub.s32 $0x2, s3;
	s5 =	sshll.u32 s4, $0x6  }
0xb: {  	s7 =	sshrl.u32 s6, $0x1;
	s4 =	sshll.u32 s4, $0xD;
	s5 =	sadd.s32 s5, s0  }
0xc: {  	s9 =	ssub.s32 s6, s7;
	s7 =	sadd.s32 s1, s4;
	s5 =	sadd.s32 $0x200, s5  }
0xd: {  	_ =	strace $0x8000004D;
	s25 =	sadd.s32 $0x800, s7;
	[dreg:$0x3] =	wrdreg s5  }
0xe: {  	s3 =	sadd.s32 $0xC1400, s0;
	s26 =	sadd.s32 $0x1000, s7;
	[dreg:$0x4] =	wrdreg s25  }
0xf: {  	v2 =	vlaneseq.u32;
	s6 =	sadd.s32 $0xC1600, s0;
	s30 =	sadd.s32 $0x1800, s7;
	[dreg:$0x5] =	wrdreg s26  }
0x10: {  	vm0 =	vmmov $0xffff;
	v1 =	vshrl.u32 v2, $0x3;
	s31 =	smax.u32 s9, $0x1;
	s5 =	sadd.s32 $0xC1500, s0;
	[dreg:$0x6] =	wrdreg s30  }
0x11: {  	v0 =	vand.u32 $0x7, v2;
	v2 =	vor.u32 $0x8, v2;
	v1 =	vmul.u32 $0x8, v1;
	[dreg:$0x7] =	wrdreg s31;
	s25 =	simm.s32 $0x14200;
	s26 =	simm.s32 $0x3  }
.LBB2_1:
0x12: {  	s0 =	rddreg [dreg:$0x3]  }
0x13: {  	[tilespmem:s2], [sflag:$0x5] =	stream.linear.gather [hbm4b:s0+s2], $0x200, $0x38;
	[tilespmem:$0x18200] =	vst v63  }
0x14: {  	_ =	swait.ge [sflag:s13], $0x200  }
0x15: {  	[sflag:s13] =	ssyncset.done $0x0  }
0x16: {  	[sflag:s13] =	ssyncadd.s32 $0xFFFFFE00  }
0x17: {  	v3 =	vld [tilespmem:$0x0];
	_ =	sdelay $0x4  }
0x18: {  	v4 =	vshll.u32 v3, $0x3  }
0x19: {  	v3 =	vand.u32 $0x7, v3;
	v4 =	vand.u32 $0xFFFFFFC0, v4  }
0x1a: {  	v3 =	vor.u32 v3, v4  }
0x1b: {  	v4 =	vperm.xlane v3, v0;
	_ =	sdelay $0x1  }
0x1c: {  	v4 =	vadd.s32 v1, v4;
	_ =	sdelay $0x4  }
0x1d: {  	[tilespmem:s10], [sflag:$0x1] =	stream.indirect_vreg.gather [hbm4b:s3+s2], $0x80, v4, vm0, $0xb8;
	[tilespmem:$0x18200] =	vst v63  }
0x1e: {  	s31 =	simm.s32 $0xA00;
	v3 =	vperm.xlane v3, v2  }
0x1f: {  	[tilespmem:s31], [sflag:$0x1] =	stream.indirect_vreg.gather [hbm4b:s5+s2], $0x80, v4, vm0, $0xb8;
	[tilespmem:$0x18200] =	vst v63  }
0x20: {  	s1 =	simm.s32 $0x1200;
	v3 =	vadd.s32 v1, v3  }
0x21: {  	[tilespmem:s1], [sflag:$0x1] =	stream.indirect_vreg.gather [hbm4b:s6+s2], $0x80, v4, vm0, $0xb8;
	[tilespmem:$0x18200] =	vst v63  }
0x22: {  	s4 =	simm.s32 $0x1A00  }
0x23: {  	[tilespmem:s4], [sflag:$0x1] =	stream.indirect_vreg.gather [hbm4b:s8+s2], $0x80, v4, vm0, $0xb8;
	[tilespmem:$0x18200] =	vst v63  }
0x24: {  	s9 =	simm.s32 $0x2200  }
0x25: {  	[tilespmem:s9], [sflag:$0x1] =	stream.indirect_vreg.gather [hbm4b:s3+s2], $0x80, v3, vm0, $0xb8;
	[tilespmem:$0x18200] =	vst v63  }
0x26: {  	s14 =	simm.s32 $0x2A00  }
0x27: {  	[tilespmem:s14], [sflag:$0x1] =	stream.indirect_vreg.gather [hbm4b:s5+s2], $0x80, v3, vm0, $0xb8;
	[tilespmem:$0x18200] =	vst v63  }
0x28: {  	s15 =	simm.s32 $0x3200  }
0x29: {  	[tilespmem:s15], [sflag:$0x1] =	stream.indirect_vreg.gather [hbm4b:s6+s2], $0x80, v3, vm0, $0xb8;
	[tilespmem:$0x18200] =	vst v63  }
0x2a: {  	s16 =	simm.s32 $0x3A00  }
0x2b: {  	[tilespmem:s16], [sflag:$0x1] =	stream.indirect_vreg.gather [hbm4b:s8+s2], $0x80, v3, vm0, $0xb8;
	[tilespmem:$0x18200] =	vst v63  }
0x2c: {  	v3 =	vld [tilespmem:$0x10];
	_ =	sdelay $0x4  }
0x2d: {  	v61 =	vshll.u32 v3, $0x3  }
0x2e: {  	v3 =	vand.u32 $0x7, v3;
	v4 =	vand.u32 $0xFFFFFFC0, v61  }
0x2f: {  	v3 =	vor.u32 v3, v4  }
0x30: {  	v4 =	vperm.xlane v3, v0;
	_ =	sdelay $0x1  }
0x31: {  	v4 =	vadd.s32 v1, v4;
	_ =	sdelay $0x3  }
0x32: {  	s17 =	simm.s32 $0x4200  }
0x33: {  	[tilespmem:s17], [sflag:$0x1] =	stream.indirect_vreg.gather [hbm4b:s3+s2], $0x80, v4, vm0, $0xb8;
	[tilespmem:$0x18200] =	vst v63  }
0x34: {  	s31 =	simm.s32 $0x4A00;
	v3 =	vperm.xlane v3, v2  }
0x35: {  	[tilespmem:s31], [sflag:$0x1] =	stream.indirect_vreg.gather [hbm4b:s5+s2], $0x80, v4, vm0, $0xb8;
	[tilespmem:$0x18200] =	vst v63  }
0x36: {  	s1 =	simm.s32 $0x5200;
	v3 =	vadd.s32 v1, v3  }
0x37: {  	[tilespmem:s1], [sflag:$0x1] =	stream.indirect_vreg.gather [hbm4b:s6+s2], $0x80, v4, vm0, $0xb8;
	[tilespmem:$0x18200] =	vst v63  }
0x38: {  	s4 =	simm.s32 $0x5A00  }
0x39: {  	[tilespmem:s4], [sflag:$0x1] =	stream.indirect_vreg.gather [hbm4b:s8+s2], $0x80, v4, vm0, $0xb8;
	[tilespmem:$0x18200] =	vst v63  }
0x3a: {  	s9 =	simm.s32 $0x6200  }
0x3b: {  	[tilespmem:s9], [sflag:$0x1] =	stream.indirect_vreg.gather [hbm4b:s3+s2], $0x80, v3, vm0, $0xb8;
	[tilespmem:$0x18200] =	vst v63  }
0x3c: {  	s14 =	simm.s32 $0x6A00  }
0x3d: {  	[tilespmem:s14], [sflag:$0x1] =	stream.indirect_vreg.gather [hbm4b:s5+s2], $0x80, v3, vm0, $0xb8;
	[tilespmem:$0x18200] =	vst v63  }
0x3e: {  	s15 =	simm.s32 $0x7200  }
0x3f: {  	[tilespmem:s15], [sflag:$0x1] =	stream.indirect_vreg.gather [hbm4b:s6+s2], $0x80, v3, vm0, $0xb8;
	[tilespmem:$0x18200] =	vst v63  }
0x40: {  	s16 =	simm.s32 $0x7A00  }
0x41: {  	[tilespmem:s16], [sflag:$0x1] =	stream.indirect_vreg.gather [hbm4b:s8+s2], $0x80, v3, vm0, $0xb8;
	[tilespmem:$0x18200] =	vst v63  }
0x42: {  	v3 =	vld [tilespmem:$0x80];
	_ =	sdelay $0x4  }
0x43: {  	v62 =	vshll.u32 v3, $0x3  }
0x44: {  	v3 =	vand.u32 $0x7, v3;
	v4 =	vand.u32 $0xFFFFFFC0, v62  }
0x45: {  	v3 =	vor.u32 v3, v4  }
0x46: {  	v4 =	vperm.xlane v3, v0;
	_ =	sdelay $0x1  }
0x47: {  	v4 =	vadd.s32 v1, v4;
	_ =	sdelay $0x3  }
0x48: {  	s17 =	simm.s32 $0x8200  }
0x49: {  	[tilespmem:s17], [sflag:$0x2] =	stream.indirect_vreg.gather [hbm4b:s3+s2], $0x80, v4, vm0, $0xb8;
	[tilespmem:$0x18200] =	vst v63  }
0x4a: {  	s31 =	simm.s32 $0x8A00;
	v3 =	vperm.xlane v3, v2  }
0x4b: {  	[tilespmem:s31], [sflag:$0x2] =	stream.indirect_vreg.gather [hbm4b:s5+s2], $0x80, v4, vm0, $0xb8;
	[tilespmem:$0x18200] =	vst v63  }
0x4c: {  	s1 =	simm.s32 $0x9200;
	v3 =	vadd.s32 v1, v3  }
0x4d: {  	[tilespmem:s1], [sflag:$0x2] =	stream.indirect_vreg.gather [hbm4b:s6+s2], $0x80, v4, vm0, $0xb8;
	[tilespmem:$0x18200] =	vst v63  }
0x4e: {  	s4 =	simm.s32 $0x9A00  }
0x4f: {  	[tilespmem:s4], [sflag:$0x2] =	stream.indirect_vreg.gather [hbm4b:s8+s2], $0x80, v4, vm0, $0xb8;
	[tilespmem:$0x18200] =	vst v63  }
0x50: {  	s9 =	simm.s32 $0xA200  }
0x51: {  	[tilespmem:s9], [sflag:$0x2] =	stream.indirect_vreg.gather [hbm4b:s3+s2], $0x80, v3, vm0, $0xb8;
	[tilespmem:$0x18200] =	vst v63  }
0x52: {  	s14 =	simm.s32 $0xAA00  }
0x53: {  	[tilespmem:s14], [sflag:$0x2] =	stream.indirect_vreg.gather [hbm4b:s5+s2], $0x80, v3, vm0, $0xb8;
	[tilespmem:$0x18200] =	vst v63  }
0x54: {  	s15 =	simm.s32 $0xB200  }
0x55: {  	[tilespmem:s15], [sflag:$0x2] =	stream.indirect_vreg.gather [hbm4b:s6+s2], $0x80, v3, vm0, $0xb8;
	[tilespmem:$0x18200] =	vst v63  }
0x56: {  	s16 =	simm.s32 $0xBA00  }
0x57: {  	[tilespmem:s16], [sflag:$0x2] =	stream.indirect_vreg.gather [hbm4b:s8+s2], $0x80, v3, vm0, $0xb8;
	[tilespmem:$0x18200] =	vst v63  }
0x58: {  	v3 =	vld [tilespmem:$0x90];
	_ =	sdelay $0x4  }
0x59: {  	v63 =	vshll.u32 v3, $0x3  }
0x5a: {  	v3 =	vand.u32 $0x7, v3;
	v4 =	vand.u32 $0xFFFFFFC0, v63  }
0x5b: {  	v3 =	vor.u32 v3, v4  }
0x5c: {  	v4 =	vperm.xlane v3, v0;
	_ =	sdelay $0x1  }
0x5d: {  	v4 =	vadd.s32 v1, v4;
	_ =	sdelay $0x3  }
0x5e: {  	s17 =	simm.s32 $0xC200  }
0x5f: {  	[tilespmem:s17], [sflag:$0x2] =	stream.indirect_vreg.gather [hbm4b:s3+s2], $0x80, v4, vm0, $0xb8;
	[tilespmem:$0x18200] =	vst v63  }
0x60: {  	s31 =	simm.s32 $0xCA00;
	v3 =	vperm.xlane v3, v2  }
0x61: {  	[tilespmem:s31], [sflag:$0x2] =	stream.indirect_vreg.gather [hbm4b:s5+s2], $0x80, v4, vm0, $0xb8;
	[tilespmem:$0x18200] =	vst v63  }
0x62: {  	v3 =	vadd.s32 v1, v3  }
0x63: {  	[tilespmem:s18], [sflag:$0x2] =	stream.indirect_vreg.gather [hbm4b:s6+s2], $0x80, v4, vm0, $0xb8;
	[tilespmem:$0x18200] =	vst v63  }
0x64: {  	_ = 	snop  }
0x65: {  	[tilespmem:s11], [sflag:$0x2] =	stream.indirect_vreg.gather [hbm4b:s8+s2], $0x80, v4, vm0, $0xb8;
	[tilespmem:$0x18200] =	vst v63  }
0x66: {  	_ = 	snop  }
0x67: {  	[tilespmem:s19], [sflag:$0x2] =	stream.indirect_vreg.gather [hbm4b:s3+s2], $0x80, v3, vm0, $0xb8;
	[tilespmem:$0x18200] =	vst v63  }
0x68: {  	_ = 	snop  }
0x69: {  	[tilespmem:s12], [sflag:$0x2] =	stream.indirect_vreg.gather [hbm4b:s5+s2], $0x80, v3, vm0, $0xb8;
	[tilespmem:$0x18200] =	vst v63  }
0x6a: {  	_ = 	snop  }
0x6b: {  	[tilespmem:s20], [sflag:$0x2] =	stream.indirect_vreg.gather [hbm4b:s6+s2], $0x80, v3, vm0, $0xb8;
	[tilespmem:$0x18200] =	vst v63  }
0x6c: {  	_ = 	snop  }
0x6d: {  	[tilespmem:s21], [sflag:$0x2] =	stream.indirect_vreg.gather [hbm4b:s8+s2], $0x80, v3, vm0, $0xb8;
	[tilespmem:$0x18200] =	vst v63  }
0x6e: {  	_ =	swait.ge [sflag:s22], $0x8000  }
0x6f: {  	[sflag:s22] =	ssyncset.done $0x0  }
0x70: {  	s30 =	simm.s32 $0x0;
	[sflag:s22] =	ssyncadd.s32 $0xFFFF8000  }
.LBB2_2:
0x71: {  	s0 =	sshll.u32 s30, $0x8;
	s1 =	sshll.u32 s30, $0xB  }
0x72: {  	s1 =	sand.u32 $0x6000, s1;
	s0 =	sand.u32 $0x300, s0  }
0x73: {  	s15 =	simm.s32 $0x0;
	s0 =	sor.u32 s0, s1  }
0x74: {  	s9 =	sand.u32 $0x1C00, s15;
	s31 =	sadd.s32 $0x200, s0  }
0x75: {  	s17 =	sand.u32 $0x70, s15;
	s0 =	sadd.s32 s9, s31  }
0x76: {  	s0 =	sadd.s32 s17, s0  }
0x77: {  	v3 =	vld [tilespmem:s0+$0x80]  }
0x78: {  	v4 =	vld [tilespmem:s0+$0x0]  }
0x79: {  	s16 =	sshll.u32 s30, $0xA;
	s4 =	sshll.u32 s30, $0x7  }
0x7a: {  	s14 =	sand.u32 $0x2000, s16;
	s15 =	sand.u32 $0x380, s4  }
0x7b: {  	s0 =	sor.u32 s15, s14  }
0x7c: {  	s16 =	simm.s32 $0x10;
	s4 =	simm.s32 $0x80;
	s0 =	sadd.s32 $0x10200, s0  }
0x7d: {  	s1 =	sand.u32 $0x1C00, s4;
	s14 =	sand.u32 $0x70, s16;
	s9 =	sadd.s32 s9, s0;
	v3 =	vadd.f32 v3, v4  }
0x7e: {  	s16 =	sadd.s32 s1, s31;
	s15 =	simm.s32 $0x20;
	s9 =	sadd.s32 s17, s9  }
.LBB2_3:
0x7f: {  	p0 =	sne.s32 s15, $0x3F0;
	s16 =	sadd.s32 s14, s16;
	[tilespmem:s9+$0x0] =	vst v3;
	s9 =	smov.u32 s14  }
0x80: {  	v3 =	vld [tilespmem:s16+$0x80]  }
0x81: {  	v4 =	vld [tilespmem:s16+$0x0];
	_ =	sdelay $0x1  }
.Ltmp0:
0x82: {  	(pc) =	sbr.rel @p0 .LBB2_3-.Ltmp0, $4  }
0x83: {  	_ = 	snop  }
0x84: {  	s4 =	sadd.s32 $0x80, s4  }
0x85: {  	s14 =	sand.u32 $0x70, s15;
	s17 =	sadd.s32 s1, s0;
	s1 =	sand.u32 $0x1C00, s4;
	v3 =	vadd.f32 v3, v4  }
0x86: {  	s15 =	sadd.s32 $0x10, s15;
	s9 =	sadd.s32 s9, s17;
	s16 =	sadd.s32 s1, s31  }
0x87: {  	s4 =	sadd.s32 s14, s16;
	[tilespmem:s9+$0x0] =	vst v3  }
0x88: {  	v3 =	vld [tilespmem:s4+$0x80]  }
0x89: {  	v4 =	vld [tilespmem:s4+$0x0]  }
0x8a: {  	s30 =	sadd.s32 $0x1, s30  }
0x8b: {  	p0 =	sne.s32 s30, $0x10  }
.Ltmp1:
0x8c: {  	_ = 	snop;
	(pc) =	sbr.rel @p0 .LBB2_2-.Ltmp1, $4  }
0x8d: {  	_ = 	snop  }
0x8e: {  	s0 =	sadd.s32 s1, s0;
	v3 =	vadd.f32 v3, v4  }
0x8f: {  	s0 =	sadd.s32 s14, s0  }
0x90: {  	[tilespmem:s0+$0x0] =	vst v3  }
0x91: {  	s30 =	simm.s32 $0x0  }
0x92: {  	[hbm4b:s7+s30] =	stream.linear.scatter [tilespmem:s23], [sflag:$0x3], $0x4000, $0x38;
	[tilespmem:$0x18200] =	vst v63  }
0x93: {  	v3 =	vld [tilespmem:$0x100];
	_ =	sdelay $0x4  }
0x94: {  	v4 =	vshll.u32 v3, $0x3  }
0x95: {  	v3 =	vand.u32 $0x7, v3;
	v4 =	vand.u32 $0xFFFFFFC0, v4  }
0x96: {  	v3 =	vor.u32 v3, v4  }
0x97: {  	v4 =	vperm.xlane v3, v0;
	_ =	sdelay $0x1  }
0x98: {  	v4 =	vadd.s32 v1, v4;
	_ =	sdelay $0x4  }
0x99: {  	[tilespmem:s10], [sflag:$0x1] =	stream.indirect_vreg.gather [hbm4b:s3+s30], $0x80, v4, vm0, $0xb8;
	[tilespmem:$0x18200] =	vst v63  }
0x9a: {  	s0 =	simm.s32 $0xA00;
	v3 =	vperm.xlane v3, v2  }
0x9b: {  	[tilespmem:s0], [sflag:$0x1] =	stream.indirect_vreg.gather [hbm4b:s5+s30], $0x80, v4, vm0, $0xb8;
	[tilespmem:$0x18200] =	vst v63  }
0x9c: {  	s9 =	simm.s32 $0x1200;
	v3 =	vadd.s32 v1, v3  }
0x9d: {  	[tilespmem:s9], [sflag:$0x1] =	stream.indirect_vreg.gather [hbm4b:s6+s30], $0x80, v4, vm0, $0xb8;
	[tilespmem:$0x18200] =	vst v63  }
0x9e: {  	s10 =	simm.s32 $0x1A00  }
0x9f: {  	[tilespmem:s10], [sflag:$0x1] =	stream.indirect_vreg.gather [hbm4b:s8+s30], $0x80, v4, vm0, $0xb8;
	[tilespmem:$0x18200] =	vst v63  }
0xa0: {  	s14 =	simm.s32 $0x2200  }
0xa1: {  	[tilespmem:s14], [sflag:$0x1] =	stream.indirect_vreg.gather [hbm4b:s3+s30], $0x80, v3, vm0, $0xb8;
	[tilespmem:$0x18200] =	vst v63  }
0xa2: {  	s15 =	simm.s32 $0x2A00  }
0xa3: {  	[tilespmem:s15], [sflag:$0x1] =	stream.indirect_vreg.gather [hbm4b:s5+s30], $0x80, v3, vm0, $0xb8;
	[tilespmem:$0x18200] =	vst v63  }
0xa4: {  	s16 =	simm.s32 $0x3200  }
0xa5: {  	[tilespmem:s16], [sflag:$0x1] =	stream.indirect_vreg.gather [hbm4b:s6+s30], $0x80, v3, vm0, $0xb8;
	[tilespmem:$0x18200] =	vst v63  }
0xa6: {  	s17 =	simm.s32 $0x3A00  }
0xa7: {  	[tilespmem:s17], [sflag:$0x1] =	stream.indirect_vreg.gather [hbm4b:s8+s30], $0x80, v3, vm0, $0xb8;
	[tilespmem:$0x18200] =	vst v63  }
0xa8: {  	v3 =	vld [tilespmem:$0x110];
	_ =	sdelay $0x4  }
0xa9: {  	v63 =	vshll.u32 v3, $0x3  }
0xaa: {  	v3 =	vand.u32 $0x7, v3;
	v4 =	vand.u32 $0xFFFFFFC0, v63  }
0xab: {  	v3 =	vor.u32 v3, v4  }
0xac: {  	v4 =	vperm.xlane v3, v0;
	_ =	sdelay $0x1  }
0xad: {  	v4 =	vadd.s32 v1, v4;
	_ =	sdelay $0x3  }
0xae: {  	s1 =	simm.s32 $0x4200  }
0xaf: {  	[tilespmem:s1], [sflag:$0x1] =	stream.indirect_vreg.gather [hbm4b:s3+s30], $0x80, v4, vm0, $0xb8;
	[tilespmem:$0x18200] =	vst v63  }
0xb0: {  	s4 =	simm.s32 $0x4A00;
	v3 =	vperm.xlane v3, v2  }
0xb1: {  	[tilespmem:s4], [sflag:$0x1] =	stream.indirect_vreg.gather [hbm4b:s5+s30], $0x80, v4, vm0, $0xb8;
	[tilespmem:$0x18200] =	vst v63  }
0xb2: {  	s9 =	simm.s32 $0x5200;
	v3 =	vadd.s32 v1, v3  }
0xb3: {  	[tilespmem:s9], [sflag:$0x1] =	stream.indirect_vreg.gather [hbm4b:s6+s30], $0x80, v4, vm0, $0xb8;
	[tilespmem:$0x18200] =	vst v63  }
0xb4: {  	s10 =	simm.s32 $0x5A00  }
0xb5: {  	[tilespmem:s10], [sflag:$0x1] =	stream.indirect_vreg.gather [hbm4b:s8+s30], $0x80, v4, vm0, $0xb8;
	[tilespmem:$0x18200] =	vst v63  }
0xb6: {  	s14 =	simm.s32 $0x6200  }
0xb7: {  	[tilespmem:s14], [sflag:$0x1] =	stream.indirect_vreg.gather [hbm4b:s3+s30], $0x80, v3, vm0, $0xb8;
	[tilespmem:$0x18200] =	vst v63  }
0xb8: {  	s15 =	simm.s32 $0x6A00  }
0xb9: {  	[tilespmem:s15], [sflag:$0x1] =	stream.indirect_vreg.gather [hbm4b:s5+s30], $0x80, v3, vm0, $0xb8;
	[tilespmem:$0x18200] =	vst v63  }
0xba: {  	s16 =	simm.s32 $0x7200  }
0xbb: {  	[tilespmem:s16], [sflag:$0x1] =	stream.indirect_vreg.gather [hbm4b:s6+s30], $0x80, v3, vm0, $0xb8;
	[tilespmem:$0x18200] =	vst v63  }
0xbc: {  	s17 =	simm.s32 $0x7A00  }
0xbd: {  	[tilespmem:s17], [sflag:$0x1] =	stream.indirect_vreg.gather [hbm4b:s8+s30], $0x80, v3, vm0, $0xb8;
	[tilespmem:$0x18200] =	vst v63  }
0xbe: {  	_ =	swait.ge [sflag:s24], $0x8000  }
0xbf: {  	[sflag:s24] =	ssyncset.done $0x0  }
0xc0: {  	s31 =	simm.s32 $0x0;
	[sflag:s24] =	ssyncadd.s32 $0xFFFF8000  }
.LBB2_6:
0xc1: {  	s0 =	sshll.u32 s31, $0x8;
	s1 =	sshll.u32 s31, $0xB  }
0xc2: {  	s1 =	sand.u32 $0x6000, s1;
	s0 =	sand.u32 $0x300, s0  }
0xc3: {  	s0 =	sor.u32 s0, s1  }
0xc4: {  	s9 =	sand.u32 $0x1C00, s30;
	s0 =	sadd.s32 $0x8200, s0  }
0xc5: {  	s17 =	sand.u32 $0x70, s30;
	s4 =	sadd.s32 s9, s0  }
0xc6: {  	s1 =	sadd.s32 s17, s4  }
0xc7: {  	v3 =	vld [tilespmem:s1+$0x80]  }
0xc8: {  	v4 =	vld [tilespmem:s1+$0x0]  }
0xc9: {  	s14 =	sshll.u32 s31, $0x7;
	s4 =	sshll.u32 s31, $0xA  }
0xca: {  	s15 =	sand.u32 $0x380, s14;
	s10 =	sand.u32 $0x2000, s4  }
0xcb: {  	s1 =	sor.u32 s15, s10  }
0xcc: {  	s16 =	simm.s32 $0x10;
	s14 =	simm.s32 $0x80;
	s1 =	sadd.s32 $0x14200, s1  }
0xcd: {  	s4 =	sand.u32 $0x1C00, s14;
	s15 =	sand.u32 $0x70, s16;
	s10 =	sadd.s32 s9, s1;
	v3 =	vadd.f32 v3, v4  }
0xce: {  	s16 =	simm.s32 $0x20;
	s9 =	sadd.s32 s4, s0;
	s17 =	sadd.s32 s17, s10  }
.LBB2_7:
0xcf: {  	p0 =	sne.s32 s16, $0x3F0;
	s9 =	sadd.s32 s15, s9;
	[tilespmem:s17+$0x0] =	vst v3;
	s10 =	smov.u32 s15  }
0xd0: {  	v3 =	vld [tilespmem:s9+$0x80]  }
0xd1: {  	v4 =	vld [tilespmem:s9+$0x0];
	_ =	sdelay $0x1  }
.Ltmp2:
0xd2: {  	(pc) =	sbr.rel @p0 .LBB2_7-.Ltmp2, $4  }
0xd3: {  	_ = 	snop  }
0xd4: {  	s14 =	sadd.s32 $0x80, s14  }
0xd5: {  	s15 =	sand.u32 $0x70, s16;
	s17 =	sadd.s32 s4, s1;
	s4 =	sand.u32 $0x1C00, s14;
	v3 =	vadd.f32 v3, v4  }
0xd6: {  	s16 =	sadd.s32 $0x10, s16;
	s17 =	sadd.s32 s10, s17;
	s9 =	sadd.s32 s4, s0  }
0xd7: {  	s0 =	sadd.s32 s15, s9;
	[tilespmem:s17+$0x0] =	vst v3  }
0xd8: {  	v3 =	vld [tilespmem:s0+$0x80]  }
0xd9: {  	v4 =	vld [tilespmem:s0+$0x0]  }
0xda: {  	s31 =	sadd.s32 $0x1, s31  }
0xdb: {  	p0 =	sne.s32 s31, $0x10  }
.Ltmp3:
0xdc: {  	_ = 	snop;
	(pc) =	sbr.rel @p0 .LBB2_6-.Ltmp3, $4  }
0xdd: {  	_ = 	snop  }
0xde: {  	s17 =	sadd.s32 s4, s1;
	v3 =	vadd.f32 v3, v4  }
0xdf: {  	s0 =	sadd.s32 s15, s17  }
0xe0: {  	[tilespmem:s0+$0x0] =	vst v3  }
0xe1: {  	s30 =	simm.s32 $0x0;
	s0 =	rddreg [dreg:$0x4]  }
0xe2: {  	[hbm4b:s0+s30] =	stream.linear.scatter [tilespmem:s25], [sflag:$0x4], $0x4000, $0x38;
	[tilespmem:$0x18200] =	vst v63  }
0xe3: {  	v3 =	vld [tilespmem:$0x180];
	_ =	sdelay $0x4  }
0xe4: {  	v4 =	vshll.u32 v3, $0x3  }
0xe5: {  	v3 =	vand.u32 $0x7, v3;
	v4 =	vand.u32 $0xFFFFFFC0, v4  }
0xe6: {  	v3 =	vor.u32 v3, v4  }
0xe7: {  	v4 =	vperm.xlane v3, v0;
	_ =	sdelay $0x1  }
0xe8: {  	v4 =	vadd.s32 v1, v4;
	_ =	sdelay $0x3  }
0xe9: {  	s16 =	simm.s32 $0x8200  }
0xea: {  	[tilespmem:s16], [sflag:$0x2] =	stream.indirect_vreg.gather [hbm4b:s3+s30], $0x80, v4, vm0, $0xb8;
	[tilespmem:$0x18200] =	vst v63  }
0xeb: {  	s17 =	simm.s32 $0x8A00;
	v3 =	vperm.xlane v3, v2  }
0xec: {  	[tilespmem:s17], [sflag:$0x2] =	stream.indirect_vreg.gather [hbm4b:s5+s30], $0x80, v4, vm0, $0xb8;
	[tilespmem:$0x18200] =	vst v63  }
0xed: {  	s1 =	simm.s32 $0x9200;
	v3 =	vadd.s32 v1, v3  }
0xee: {  	[tilespmem:s1], [sflag:$0x2] =	stream.indirect_vreg.gather [hbm4b:s6+s30], $0x80, v4, vm0, $0xb8;
	[tilespmem:$0x18200] =	vst v63  }
0xef: {  	s4 =	simm.s32 $0x9A00  }
0xf0: {  	[tilespmem:s4], [sflag:$0x2] =	stream.indirect_vreg.gather [hbm4b:s8+s30], $0x80, v4, vm0, $0xb8;
	[tilespmem:$0x18200] =	vst v63  }
0xf1: {  	s9 =	simm.s32 $0xA200  }
0xf2: {  	[tilespmem:s9], [sflag:$0x2] =	stream.indirect_vreg.gather [hbm4b:s3+s30], $0x80, v3, vm0, $0xb8;
	[tilespmem:$0x18200] =	vst v63  }
0xf3: {  	s10 =	simm.s32 $0xAA00  }
0xf4: {  	[tilespmem:s10], [sflag:$0x2] =	stream.indirect_vreg.gather [hbm4b:s5+s30], $0x80, v3, vm0, $0xb8;
	[tilespmem:$0x18200] =	vst v63  }
0xf5: {  	s14 =	simm.s32 $0xB200  }
0xf6: {  	[tilespmem:s14], [sflag:$0x2] =	stream.indirect_vreg.gather [hbm4b:s6+s30], $0x80, v3, vm0, $0xb8;
	[tilespmem:$0x18200] =	vst v63  }
0xf7: {  	s15 =	simm.s32 $0xBA00  }
0xf8: {  	[tilespmem:s15], [sflag:$0x2] =	stream.indirect_vreg.gather [hbm4b:s8+s30], $0x80, v3, vm0, $0xb8;
	[tilespmem:$0x18200] =	vst v63  }
0xf9: {  	v3 =	vld [tilespmem:$0x190];
	_ =	sdelay $0x4  }
0xfa: {  	v63 =	vshll.u32 v3, $0x3  }
0xfb: {  	v3 =	vand.u32 $0x7, v3;
	v4 =	vand.u32 $0xFFFFFFC0, v63  }
0xfc: {  	v3 =	vor.u32 v3, v4  }
0xfd: {  	v4 =	vperm.xlane v3, v0;
	_ =	sdelay $0x1  }
0xfe: {  	v4 =	vadd.s32 v1, v4;
	_ =	sdelay $0x3  }
0xff: {  	s16 =	simm.s32 $0xC200  }
0x100: {  	[tilespmem:s16], [sflag:$0x2] =	stream.indirect_vreg.gather [hbm4b:s3+s30], $0x80, v4, vm0, $0xb8;
	[tilespmem:$0x18200] =	vst v63  }
0x101: {  	s17 =	simm.s32 $0xCA00;
	v3 =	vperm.xlane v3, v2  }
0x102: {  	[tilespmem:s17], [sflag:$0x2] =	stream.indirect_vreg.gather [hbm4b:s5+s30], $0x80, v4, vm0, $0xb8;
	[tilespmem:$0x18200] =	vst v63  }
0x103: {  	v3 =	vadd.s32 v1, v3  }
0x104: {  	[tilespmem:s18], [sflag:$0x2] =	stream.indirect_vreg.gather [hbm4b:s6+s30], $0x80, v4, vm0, $0xb8;
	[tilespmem:$0x18200] =	vst v63  }
0x105: {  	_ = 	snop  }
0x106: {  	[tilespmem:s11], [sflag:$0x2] =	stream.indirect_vreg.gather [hbm4b:s8+s30], $0x80, v4, vm0, $0xb8;
	[tilespmem:$0x18200] =	vst v63  }
0x107: {  	_ = 	snop  }
0x108: {  	[tilespmem:s19], [sflag:$0x2] =	stream.indirect_vreg.gather [hbm4b:s3+s30], $0x80, v3, vm0, $0xb8;
	[tilespmem:$0x18200] =	vst v63  }
0x109: {  	_ = 	snop  }
0x10a: {  	[tilespmem:s12], [sflag:$0x2] =	stream.indirect_vreg.gather [hbm4b:s5+s30], $0x80, v3, vm0, $0xb8;
	[tilespmem:$0x18200] =	vst v63  }
0x10b: {  	_ = 	snop  }
0x10c: {  	[tilespmem:s20], [sflag:$0x2] =	stream.indirect_vreg.gather [hbm4b:s6+s30], $0x80, v3, vm0, $0xb8;
	[tilespmem:$0x18200] =	vst v63  }
0x10d: {  	_ = 	snop  }
0x10e: {  	[tilespmem:s21], [sflag:$0x2] =	stream.indirect_vreg.gather [hbm4b:s8+s30], $0x80, v3, vm0, $0xb8;
	[tilespmem:$0x18200] =	vst v63  }
0x10f: {  	_ =	swait.ge [sflag:s22], $0x8000  }
0x110: {  	[sflag:s22] =	ssyncset.done $0x0  }
0x111: {  	[sflag:s22] =	ssyncadd.s32 $0xFFFF8000  }
0x112: {  	_ =	swait.ge [sflag:s26], $0x4000  }
0x113: {  	[sflag:s26] =	ssyncset.done $0x0  }
0x114: {  	s31 =	simm.s32 $0x0;
	[sflag:s26] =	ssyncadd.s32 $0xFFFFC000  }
.LBB2_10:
0x115: {  	s0 =	sshll.u32 s31, $0x8;
	s1 =	sshll.u32 s31, $0xB  }
0x116: {  	s1 =	sand.u32 $0x6000, s1;
	s0 =	sand.u32 $0x300, s0  }
0x117: {  	s0 =	sor.u32 s0, s1  }
0x118: {  	s9 =	sand.u32 $0x1C00, s30;
	s0 =	sadd.s32 $0x200, s0  }
0x119: {  	s10 =	sand.u32 $0x70, s30;
	s14 =	sadd.s32 s9, s0  }
0x11a: {  	s1 =	sadd.s32 s10, s14  }
0x11b: {  	v3 =	vld [tilespmem:s1+$0x80]  }
0x11c: {  	v4 =	vld [tilespmem:s1+$0x0]  }
0x11d: {  	s4 =	sshll.u32 s31, $0xA;
	s14 =	sshll.u32 s31, $0x7  }
0x11e: {  	s15 =	sand.u32 $0x2000, s4;
	s16 =	sand.u32 $0x380, s14  }
0x11f: {  	s1 =	sor.u32 s16, s15  }
0x120: {  	s17 =	simm.s32 $0x10;
	s14 =	simm.s32 $0x80;
	s1 =	sadd.s32 $0x10200, s1  }
0x121: {  	s15 =	sand.u32 $0x70, s17;
	s4 =	sand.u32 $0x1C00, s14;
	s17 =	sadd.s32 s9, s1;
	v3 =	vadd.f32 v3, v4  }
0x122: {  	s16 =	simm.s32 $0x20;
	s9 =	sadd.s32 s4, s0;
	s17 =	sadd.s32 s10, s17  }
.LBB2_11:
0x123: {  	p0 =	sne.s32 s16, $0x3F0;
	s9 =	sadd.s32 s15, s9;
	[tilespmem:s17+$0x0] =	vst v3;
	s10 =	smov.u32 s15  }
0x124: {  	v3 =	vld [tilespmem:s9+$0x80]  }
0x125: {  	v4 =	vld [tilespmem:s9+$0x0];
	_ =	sdelay $0x1  }
.Ltmp4:
0x126: {  	(pc) =	sbr.rel @p0 .LBB2_11-.Ltmp4, $4  }
0x127: {  	_ = 	snop  }
0x128: {  	s14 =	sadd.s32 $0x80, s14  }
0x129: {  	s15 =	sand.u32 $0x70, s16;
	s17 =	sadd.s32 s4, s1;
	s4 =	sand.u32 $0x1C00, s14;
	v3 =	vadd.f32 v3, v4  }
0x12a: {  	s16 =	sadd.s32 $0x10, s16;
	s17 =	sadd.s32 s10, s17;
	s9 =	sadd.s32 s4, s0  }
0x12b: {  	s0 =	sadd.s32 s15, s9;
	[tilespmem:s17+$0x0] =	vst v3  }
0x12c: {  	v3 =	vld [tilespmem:s0+$0x80]  }
0x12d: {  	v4 =	vld [tilespmem:s0+$0x0]  }
0x12e: {  	s31 =	sadd.s32 $0x1, s31  }
0x12f: {  	p0 =	sne.s32 s31, $0x10  }
.Ltmp5:
0x130: {  	_ = 	snop;
	(pc) =	sbr.rel @p0 .LBB2_10-.Ltmp5, $4  }
0x131: {  	_ = 	snop  }
0x132: {  	s17 =	sadd.s32 s4, s1;
	v3 =	vadd.f32 v3, v4  }
0x133: {  	s0 =	sadd.s32 s15, s17  }
0x134: {  	[tilespmem:s0+$0x0] =	vst v3  }
0x135: {  	s30 =	simm.s32 $0x0;
	s0 =	rddreg [dreg:$0x5]  }
0x136: {  	[hbm4b:s0+s30] =	stream.linear.scatter [tilespmem:s23], [sflag:$0x3], $0x4000, $0x38;
	[tilespmem:$0x18200] =	vst v63  }
0x137: {  	_ =	swait.ge [sflag:s24], $0x8000  }
0x138: {  	[sflag:s24] =	ssyncset.done $0x0  }
0x139: {  	[sflag:s24] =	ssyncadd.s32 $0xFFFF8000  }
0x13a: {  	_ =	swait.ge [sflag:s28], $0x4000  }
0x13b: {  	[sflag:s28] =	ssyncset.done $0x0  }
0x13c: {  	s31 =	simm.s32 $0x0;
	[sflag:s28] =	ssyncadd.s32 $0xFFFFC000  }
.LBB2_14:
0x13d: {  	s0 =	sshll.u32 s31, $0x8;
	s1 =	sshll.u32 s31, $0xB  }
0x13e: {  	s1 =	sand.u32 $0x6000, s1;
	s0 =	sand.u32 $0x300, s0  }
0x13f: {  	s0 =	sor.u32 s0, s1  }
0x140: {  	s9 =	sand.u32 $0x1C00, s30;
	s0 =	sadd.s32 $0x8200, s0  }
0x141: {  	s10 =	sand.u32 $0x70, s30;
	s14 =	sadd.s32 s9, s0  }
0x142: {  	s1 =	sadd.s32 s10, s14  }
0x143: {  	v3 =	vld [tilespmem:s1+$0x80]  }
0x144: {  	v4 =	vld [tilespmem:s1+$0x0]  }
0x145: {  	s4 =	sshll.u32 s31, $0xA;
	s14 =	sshll.u32 s31, $0x7  }
0x146: {  	s15 =	sand.u32 $0x2000, s4;
	s16 =	sand.u32 $0x380, s14  }
0x147: {  	s1 =	sor.u32 s16, s15  }
0x148: {  	s17 =	simm.s32 $0x10;
	s14 =	simm.s32 $0x80;
	s1 =	sadd.s32 $0x14200, s1  }
0x149: {  	s15 =	sand.u32 $0x70, s17;
	s4 =	sand.u32 $0x1C00, s14;
	s17 =	sadd.s32 s9, s1;
	v3 =	vadd.f32 v3, v4  }
0x14a: {  	s16 =	simm.s32 $0x20;
	s9 =	sadd.s32 s4, s0;
	s17 =	sadd.s32 s10, s17  }
.LBB2_15:
0x14b: {  	p0 =	sne.s32 s16, $0x3F0;
	s9 =	sadd.s32 s15, s9;
	[tilespmem:s17+$0x0] =	vst v3;
	s10 =	smov.u32 s15  }
0x14c: {  	v3 =	vld [tilespmem:s9+$0x80]  }
0x14d: {  	v4 =	vld [tilespmem:s9+$0x0];
	_ =	sdelay $0x1  }
.Ltmp6:
0x14e: {  	(pc) =	sbr.rel @p0 .LBB2_15-.Ltmp6, $4  }
0x14f: {  	_ = 	snop  }
0x150: {  	s14 =	sadd.s32 $0x80, s14  }
0x151: {  	s15 =	sand.u32 $0x70, s16;
	s17 =	sadd.s32 s4, s1;
	s4 =	sand.u32 $0x1C00, s14;
	v3 =	vadd.f32 v3, v4  }
0x152: {  	s16 =	sadd.s32 $0x10, s16;
	s17 =	sadd.s32 s10, s17;
	s9 =	sadd.s32 s4, s0  }
0x153: {  	s0 =	sadd.s32 s15, s9;
	[tilespmem:s17+$0x0] =	vst v3  }
0x154: {  	v3 =	vld [tilespmem:s0+$0x80]  }
0x155: {  	v4 =	vld [tilespmem:s0+$0x0]  }
0x156: {  	s31 =	sadd.s32 $0x1, s31  }
0x157: {  	p0 =	sne.s32 s31, $0x10  }
.Ltmp7:
0x158: {  	_ = 	snop;
	(pc) =	sbr.rel @p0 .LBB2_14-.Ltmp7, $4  }
0x159: {  	_ = 	snop  }
0x15a: {  	s17 =	sadd.s32 s4, s1;
	v3 =	vadd.f32 v3, v4  }
0x15b: {  	s0 =	sadd.s32 s15, s17  }
0x15c: {  	[tilespmem:s0+$0x0] =	vst v3  }
0x15d: {  	s0 =	rddreg [dreg:$0x6]  }
0x15e: {  	[hbm4b:s0+s2] =	stream.linear.scatter [tilespmem:s25], [sflag:$0x4], $0x4000, $0x38;
	[tilespmem:$0x18200] =	vst v63  }
0x15f: {  	_ =	swait.ge [sflag:s26], $0x4000  }
0x160: {  	[sflag:s26] =	ssyncset.done $0x0  }
0x161: {  	[sflag:s26] =	ssyncadd.s32 $0xFFFFC000  }
0x162: {  	_ =	swait.ge [sflag:s28], $0x4000  }
0x163: {  	s29 =	sadd.s32 $0x1, s29;
	s31 =	rddreg [dreg:$0x7]  }
0x164: {  	p0 =	sne.s32 s29, s31  }
.Ltmp8:
0x165: {  	_ = 	snop;
	(pc) =	sbr.rel @p0 .LBB2_1-.Ltmp8, $3  }
0x166: {  	_ =	sdelay $0x1  }
0x167: {  	[sflag:s28] =	ssyncset.done $0x0  }
0x168: {  	s10 =	simm.s32 $0x200;
	[sflag:s28] =	ssyncadd.s32 $0xFFFFC000  }
0x169: {  	_ =	sfence.sel $0x180000  }
0x16a: {  	[bflag:$0x0] =	sbarrier.arrive $0xFFFF  }
0x16b: {  	_ =	strace $0x9000004D  }
0x16c: {  	s0 =	stileid.u32;
	[bflag:$0x2] =	sbarrier.arrive $0xFFFF  }
0x16d: {  	p0 =	sne.s32 s0, $0x0;
	s0 =	rddreg [dreg:$0x2]  }
0x16e: {  	s0 =	sadd.s32 @!p0 $0x100000, s0  }
0x16f: {  	[sflag:s0] =	ssyncadd.tile.s32 @!p0 $0x1;
	_ =	shalt  }
.Lfunc_end2:
_tile_overlayer_lowered:
.L_overlay_start_2:
0x170: {  	(tag) =	ssettag $0x2  }
0x171: {  	s0 =	rddreg [dreg:$0x0];
	s2 =	stileid.u32  }
0x172: {  	s1 =	rddreg [dreg:$0x1];
	p0 =	sne.s32 s2, $0x0  }
0x173: {  	s3 =	rddreg [dreg:$0x2];
	[bflag:$0x3] =	sbarrier.arrive $0xFFFF;
	s2 =	simm.s32 @!p0 $0x1C05  }
0x174: {  	[timem:s3], [sflag:s2] =	dma.local @!p0 [hbm:s0], s1  }
0x175: {  	s0 =	simm.s32 @!p0 $0x5  }
0x176: {  	_ =	swait.ge @!p0 [sflag:s0], s1  }
0x177: {  	s1 =	ssub.s32 @!p0 $0x0, s1;
	[sflag:s0] =	ssyncset.done @!p0 $0x0  }
0x178: {  	[sflag:s0] =	ssyncadd.s32 @!p0 s1  }
0x179: {  	[bflag:$0x3] =	sbarrier.arrive $0xFFFF  }
0x17a: {  	_ =	shalt  }

</sc_bundles>
